<compile_context>
chip_gen: v7x
topology: tpu7x:2x2x1
jax: 0.10.2.dev20260603
libtpu: 0.0.44.dev20260713+nightly
codegen_flags: <defaults>
</compile_context>

<pallas_src>
import functools

import numpy as np

import jax
import jax.numpy as jnp
from jax import lax
from jax.experimental import pallas as pl
from jax.experimental.pallas import tpu as pltpu
from jax.experimental.pallas import tpu_sc as plsc

VOCAB = 8192
DIM = 256
N_TOK = 4096
COMMIT = 0.25

TR = 1024
TV = 2048
RT = N_TOK // TR
VT = VOCAB // TV

_COLSF = np.arange(TV, dtype=np.float32).reshape(1, TV)
_COLSI = np.arange(TV, dtype=np.int32).reshape(1, TV)


def _fused_body(x_ref, c_ref, colsf_ref, colsi_ref,
                enc_ref, mini_ref, loss_ref, perp_ref,
                xm2_ref, xsq_ref, csq_ref, cnt_ref,
                minv_ref, mini_c_ref, mini0_ref, mini1_ref,
                oh0_ref, oh1_ref, acc_ref, sem0, sem1):
    r = pl.program_id(0)
    v = pl.program_id(1)

    @pl.when(r < RT)
    def _argmin_phase():
        @pl.when(v == 0)
        def _():
            xb = x_ref[...]
            xm2_ref[...] = xb * (-2.0)
            xsq_ref[...] = jnp.sum(xb * xb, axis=1, keepdims=True)

        c = c_ref[...]

        @pl.when(r == 0)
        def _():
            ones = jnp.ones((1, DIM), jnp.float32)
            csq_ref[0:1, pl.ds(v * TV, TV)] = lax.dot_general(
                ones, c * c, (((1,), (1,)), ((), ())),
                preferred_element_type=jnp.float32)

        mm = lax.dot_general(xm2_ref[...], c, (((1,), (1,)), ((), ())),
                             preferred_element_type=jnp.float32)
        t = xsq_ref[...] + csq_ref[0:1, pl.ds(v * TV, TV)]
        d = t + mm
        lmin = jnp.min(d, axis=1, keepdims=True)
        largf = jnp.min(jnp.where(d == lmin, colsf_ref[...], 1e9),
                        axis=1, keepdims=True)
        larg = largf.astype(jnp.int32) + v * TV

        @pl.when(v == 0)
        def _():
            minv_ref[...] = lmin
            mini_c_ref[...] = larg

        @pl.when(v > 0)
        def _():
            better = lmin < minv_ref[...]
            minv_ref[...] = jnp.where(better, lmin, minv_ref[...])
            mini_c_ref[...] = jnp.where(better, larg, mini_c_ref[...])

        @pl.when(v == VT - 1)
        def _():
            mini_ref[...] = mini_c_ref[...].reshape(1, TR, 1)

            @pl.when(r % 2 == 0)
            def _():
                mini0_ref[...] = mini_c_ref[...]

            @pl.when(r % 2 == 1)
            def _():
                mini1_ref[...] = mini_c_ref[...]

            s_ = jnp.sum(minv_ref[...])

            @pl.when(r == 0)
            def _():
                acc_ref[0, 0] = s_

            @pl.when(r > 0)
            def _():
                acc_ref[0, 0] = acc_ref[0, 0] + s_

    @pl.when(r >= 1)
    def _onehot_phase():
        idxp = jnp.where((r - 1) % 2 == 0, mini0_ref[...], mini1_ref[...])
        idxs = idxp - v * TV
        u = (r - 1) * VT + v
        dst = enc_ref.at[pl.ds((r - 1) * TR, TR), pl.ds(v * TV, TV)]

        def _emit(oh_ref, sem):
            @pl.when(u >= 2)
            def _():
                pltpu.make_async_copy(oh_ref, dst, sem).wait()
            oh_ref[...] = (idxs == colsi_ref[...]).astype(jnp.float32)
            colsum = jnp.sum(oh_ref[...], axis=0, keepdims=True)

            @pl.when(r == 1)
            def _():
                cnt_ref[0:1, pl.ds(v * TV, TV)] = colsum

            @pl.when(r > 1)
            def _():
                cnt_ref[0:1, pl.ds(v * TV, TV)] = (
                    cnt_ref[0:1, pl.ds(v * TV, TV)] + colsum)

            pltpu.make_async_copy(oh_ref, dst, sem).start()

        @pl.when(u % 2 == 0)
        def _():
            _emit(oh0_ref, sem0)

        @pl.when(u % 2 == 1)
        def _():
            _emit(oh1_ref, sem1)

    @pl.when((r == RT) & (v == VT - 1))
    def _final():
        drain = enc_ref.at[pl.ds(0, TR), pl.ds(0, TV)]
        pltpu.make_async_copy(oh0_ref, drain, sem0).wait()
        pltpu.make_async_copy(oh1_ref, drain, sem1).wait()
        m = acc_ref[0, 0] * (1.0 / (N_TOK * DIM))
        loss_ref[0, 0] = m + COMMIT * m
        p = cnt_ref[...] * (1.0 / N_TOK)
        perp_ref[0, 0] = jnp.exp(-jnp.sum(p * jnp.log(p + 1e-10)))


_fused_call = pl.pallas_call(
    _fused_body,
    grid=(RT + 1, VT),
    in_specs=[
        pl.BlockSpec((TR, DIM), lambda r, v: (jnp.minimum(r, RT - 1), 0)),
        pl.BlockSpec((TV, DIM), lambda r, v: (jnp.where(r == RT, VT - 1, v), 0)),
        pl.BlockSpec((1, TV), lambda r, v: (0, 0)),
        pl.BlockSpec((1, TV), lambda r, v: (0, 0)),
    ],
    out_specs=[
        pl.BlockSpec(memory_space=pl.ANY),
        pl.BlockSpec((1, TR, 1), lambda r, v: (jnp.minimum(r, RT - 1), 0, 0)),
        pl.BlockSpec(memory_space=pltpu.SMEM),
        pl.BlockSpec(memory_space=pltpu.SMEM),
    ],
    out_shape=[
        jax.ShapeDtypeStruct((N_TOK, VOCAB), jnp.float32),
        jax.ShapeDtypeStruct((RT, TR, 1), jnp.int32),
        jax.ShapeDtypeStruct((1, 1), jnp.float32),
        jax.ShapeDtypeStruct((1, 1), jnp.float32),
    ],
    scratch_shapes=[
        pltpu.VMEM((TR, DIM), jnp.float32),
        pltpu.VMEM((TR, 1), jnp.float32),
        pltpu.VMEM((1, VOCAB), jnp.float32),
        pltpu.VMEM((1, VOCAB), jnp.float32),
        pltpu.VMEM((TR, 1), jnp.float32),
        pltpu.VMEM((TR, 1), jnp.int32),
        pltpu.VMEM((TR, 1), jnp.int32),
        pltpu.VMEM((TR, 1), jnp.int32),
        pltpu.VMEM((TR, TV), jnp.float32),
        pltpu.VMEM((TR, TV), jnp.float32),
        pltpu.SMEM((1, 1), jnp.float32),
        pltpu.SemaphoreType.DMA,
        pltpu.SemaphoreType.DMA,
    ],
)


_NC = 2
_NS = 16
_NW = _NC * _NS
_BPW = N_TOK // _NW


@functools.cache
def _make_sc_gather():
    @functools.partial(
        pl.kernel,
        mesh=plsc.VectorSubcoreMesh(core_axis_name="c", subcore_axis_name="s"),
        out_type=jax.ShapeDtypeStruct((N_TOK, DIM), jnp.float32),
        scratch_types=[
            pltpu.VMEM((_BPW,), jnp.int32),
            pltpu.VMEM((_BPW, DIM), jnp.float32),
            pltpu.SemaphoreType.DMA,
        ],
    )
    def _sc_gather(table_hbm, idx_hbm, out_hbm, idx_v, rows_v, sem):
        wid = lax.axis_index("s") * _NC + lax.axis_index("c")
        base = wid * _BPW
        pltpu.sync_copy(idx_hbm.at[pl.ds(base, _BPW)], idx_v)
        pltpu.async_copy(table_hbm.at[idx_v], rows_v, sem).wait()
        pltpu.sync_copy(rows_v, out_hbm.at[pl.ds(base, _BPW)])

    return _sc_gather


def _qst_body(x_ref, q_ref, qst_ref):
    x = x_ref[...]
    q = q_ref[...]
    qst_ref[...] = x + (q - x)


_qst_call = pl.pallas_call(
    _qst_body,
    grid=(RT,),
    in_specs=[
        pl.BlockSpec((TR, DIM), lambda r: (r, 0)),
        pl.BlockSpec((TR, DIM), lambda r: (r, 0)),
    ],
    out_specs=pl.BlockSpec((TR, DIM), lambda r: (r, 0)),
    out_shape=jax.ShapeDtypeStruct((N_TOK, DIM), jnp.float32),
)


def kernel(inputs, codebook):
    B, C, H, W = inputs.shape
    x = jnp.transpose(inputs, (0, 2, 3, 1)).reshape(N_TOK, DIM)
    enc, mini, loss, perp = _fused_call(x, codebook, _COLSF, _COLSI)
    idx_flat = mini.reshape(N_TOK)
    q = _make_sc_gather()(codebook, idx_flat)
    qst = _qst_call(x, q)
    qst_out = jnp.transpose(qst.reshape(B, H, W, C), (0, 3, 1, 2))
    return (loss.reshape(()), qst_out, perp.reshape(()), enc)

# --- scband reference (transcript-rebuilt; emitter-appended) ---
"""Pipeline reference for scband-vector-quantizer-28759101014238 (READ-ONLY COPY).

The authoritative reference and input builder live on the scoring server;
editing this copy changes nothing except your own understanding.
"""

import jax, jax.numpy as jnp
import numpy as np

VOCAB_SIZE = 8192
EMBED_DIM = 256
COMMITMENT_WEIGHT = 0.25


def setup_inputs(seed: int = 0) -> dict:
    key = jax.random.key(seed)
    k1, k2 = jax.random.split(key)
    inputs = jax.random.normal(k1, (16, 256, 16, 16), dtype=jnp.float32)
    # codebook initialized uniform(-1/vocab, 1/vocab) like the torch module
    codebook = jax.random.uniform(k2, (VOCAB_SIZE, EMBED_DIM), dtype=jnp.float32,
                                  minval=-1.0 / VOCAB_SIZE, maxval=1.0 / VOCAB_SIZE)
    return {"inputs": inputs, "codebook": codebook}


def reference(inputs, codebook):
    # inputs: [B, C, H, W] -> [B, H, W, C]
    x = jnp.transpose(inputs, (0, 2, 3, 1))
    input_shape = x.shape
    flat_input = x.reshape(-1, EMBED_DIM)
    distances = (jnp.sum(flat_input ** 2, axis=1, keepdims=True)
                 + jnp.sum(codebook ** 2, axis=1)
                 - 2.0 * jnp.matmul(flat_input, codebook.T))
    encoding_indices = jnp.argmin(distances, axis=1)
    n = encoding_indices.shape[0]
    encodings = jnp.zeros((n, VOCAB_SIZE), dtype=jnp.float32).at[jnp.arange(n), encoding_indices].set(1.0)
    quantized = jnp.matmul(encodings, codebook).reshape(input_shape)
    e_latent_loss = jnp.mean((jax.lax.stop_gradient(quantized) - x) ** 2)
    q_latent_loss = jnp.mean((quantized - jax.lax.stop_gradient(x)) ** 2)
    loss = q_latent_loss + COMMITMENT_WEIGHT * e_latent_loss
    quantized_st = x + jax.lax.stop_gradient(quantized - x)
    avg_probs = jnp.mean(encodings, axis=0)
    perplexity = jnp.exp(-jnp.sum(avg_probs * jnp.log(avg_probs + 1e-10)))
    return (loss, jnp.transpose(quantized_st, (0, 3, 1, 2)), perplexity, encodings)

if __name__ == "__main__":
    import jax
    _d = setup_inputs()
    print(jax.jit(kernel)(*tuple(_d.values())))

</pallas_src>

<mosaic_0001>
#map = affine_map<(d0, d1) -> (0, 0)>
#map1 = affine_map<(d0, d1) -> (0)>
module attributes {stable_mosaic.version = 14 : i64} {
  func.func @_sc_gather(%arg0: i32, %arg1: i32, %arg2: memref<8192x256xf32, #tpu.memory_space<hbm>>, %arg3: memref<4096xi32, #tpu.memory_space<hbm>>, %arg4: memref<4096x256xf32, #tpu.memory_space<hbm>>, %arg5: memref<128xi32, #tpu.memory_space<vmem>>, %arg6: memref<128x256xf32, #tpu.memory_space<vmem>>, %arg7: memref<!tpu.dma_semaphore, #tpu.memory_space<semaphore_mem>>) attributes {dimension_semantics = [#tpu.dimension_semantics<core_parallel>, #tpu.dimension_semantics<subcore_parallel>], iteration_bounds = array<i64: 2, 16>, scalar_prefetch = 0 : i64, scratch_operands = 3 : i64, tpu.core_type = #tpu.core_type<sc_vector_subcore>, window_params = [{transform_indices = #map}, {transform_indices = #map1}, {transform_indices = #map}]} {
    %mul3A = arith.constant 2 : i32
    %mul3A_0 = arith.muli %arg1, %mul3A : i32
    %add3A = arith.addi %mul3A_0, %arg0 : i32
    %mul3A_1 = arith.constant 128 : i32
    %mul3A_2 = arith.muli %add3A, %mul3A_1 : i32
    "tpu.region"() ({
      %run_scoped3A = tpu.sem_alloc : memref<!tpu.dma_semaphore, #tpu.memory_space<semaphore_mem>>
      %dma_start3A_7 = tpu.memref_slice %arg3[%mul3A_2] : memref<4096xi32, #tpu.memory_space<hbm>> -> memref<128xi32, #tpu.memory_space<hbm>>
      %dma_start3A_8 = tpu.memref_slice %arg3[%mul3A_2] : memref<4096xi32, #tpu.memory_space<hbm>> -> memref<128xi32, #tpu.memory_space<hbm>>
      tpu.enqueue_dma source(%dma_start3A_8 : memref<128xi32, #tpu.memory_space<hbm>>) target(%arg5 : memref<128xi32, #tpu.memory_space<vmem>>) target_semaphore(%run_scoped3A : memref<!tpu.dma_semaphore, #tpu.memory_space<semaphore_mem>>)
      %dma_wait3A_9 = tpu.memref_slice %arg3[%mul3A_2] : memref<4096xi32, #tpu.memory_space<hbm>> -> memref<128xi32, #tpu.memory_space<hbm>>
      %dma_wait3A_10 = tpu.memref_slice %arg3[%mul3A_2] : memref<4096xi32, #tpu.memory_space<hbm>> -> memref<128xi32, #tpu.memory_space<hbm>>
      tpu.wait_dma2 semaphore(%run_scoped3A : memref<!tpu.dma_semaphore, #tpu.memory_space<semaphore_mem>>) src(%dma_wait3A_10 : memref<128xi32, #tpu.memory_space<hbm>>) dst(%arg5 : memref<128xi32, #tpu.memory_space<vmem>>)
      tpu.yield
    }) : () -> ()
    %dma_start3A = arith.constant 0 : i32
    %dma_start3A_3 = arith.constant 0 : i32
    %dma_start3A_4 = tpu.memref_slice %arg2[%dma_start3A, %dma_start3A_3] : memref<8192x256xf32, #tpu.memory_space<hbm>> -> memref<8192x256xf32, #tpu.memory_space<hbm>>
    tpu.enqueue_indirect_dma source(%dma_start3A_4 : memref<8192x256xf32, #tpu.memory_space<hbm>>) target(%arg6 : memref<128x256xf32, #tpu.memory_space<vmem>>) offsets(%arg5 : memref<128xi32, #tpu.memory_space<vmem>>) semaphore(%arg7 : memref<!tpu.dma_semaphore, #tpu.memory_space<semaphore_mem>>)
    %dma_wait3A = arith.constant 0 : i32
    %dma_wait3A_5 = arith.constant 0 : i32
    %dma_wait3A_6 = tpu.memref_slice %arg2[%dma_wait3A, %dma_wait3A_5] : memref<8192x256xf32, #tpu.memory_space<hbm>> -> memref<8192x256xf32, #tpu.memory_space<hbm>>
    tpu.wait_indirect_dma semaphore(%arg7 : memref<!tpu.dma_semaphore, #tpu.memory_space<semaphore_mem>>) src(%dma_wait3A_6 : memref<8192x256xf32, #tpu.memory_space<hbm>>) dst(%arg6 : memref<128x256xf32, #tpu.memory_space<vmem>>)
    "tpu.region"() ({
      %run_scoped3A = tpu.sem_alloc : memref<!tpu.dma_semaphore, #tpu.memory_space<semaphore_mem>>
      %dma_start3A_7 = arith.constant 0 : i32
      %dma_start3A_8 = tpu.memref_slice %arg4[%mul3A_2, %dma_start3A_7] : memref<4096x256xf32, #tpu.memory_space<hbm>> -> memref<128x256xf32, #tpu.memory_space<hbm>>
      %dma_start3A_9 = arith.constant 0 : i32
      %dma_start3A_10 = tpu.memref_slice %arg4[%mul3A_2, %dma_start3A_9] : memref<4096x256xf32, #tpu.memory_space<hbm>> -> memref<128x256xf32, #tpu.memory_space<hbm>>
      tpu.enqueue_dma source(%arg6 : memref<128x256xf32, #tpu.memory_space<vmem>>) target(%dma_start3A_10 : memref<128x256xf32, #tpu.memory_space<hbm>>) target_semaphore(%run_scoped3A : memref<!tpu.dma_semaphore, #tpu.memory_space<semaphore_mem>>)
      %dma_wait3A_11 = arith.constant 0 : i32
      %dma_wait3A_12 = tpu.memref_slice %arg4[%mul3A_2, %dma_wait3A_11] : memref<4096x256xf32, #tpu.memory_space<hbm>> -> memref<128x256xf32, #tpu.memory_space<hbm>>
      %dma_wait3A_13 = arith.constant 0 : i32
      %dma_wait3A_14 = tpu.memref_slice %arg4[%mul3A_2, %dma_wait3A_13] : memref<4096x256xf32, #tpu.memory_space<hbm>> -> memref<128x256xf32, #tpu.memory_space<hbm>>
      tpu.wait_dma2 semaphore(%run_scoped3A : memref<!tpu.dma_semaphore, #tpu.memory_space<semaphore_mem>>) src(%arg6 : memref<128x256xf32, #tpu.memory_space<vmem>>) dst(%dma_wait3A_14 : memref<128x256xf32, #tpu.memory_space<hbm>>)
      tpu.yield
    }) : () -> ()
    return
  }
}

module attributes {stable_mosaic.version = 14 : i64} {
  func.func @_qst_body(%arg0: i32, %arg1: memref<1024x256xf32, #tpu.memory_space<vmem>>, %arg2: memref<1024x256xf32, #tpu.memory_space<vmem>>, %arg3: memref<1024x256xf32, #tpu.memory_space<vmem>>) attributes {dimension_semantics = [#tpu.dimension_semantics<arbitrary>], iteration_bounds = array<i64: 4>, scalar_prefetch = 0 : i64, scratch_operands = 0 : i64, tpu.core_type = #tpu.core_type<tc>, window_params = [{transform_indices = @transform_0, window_bounds = array<i64: 1024, 256>}, {transform_indices = @transform_1, window_bounds = array<i64: 1024, 256>}, {transform_indices = @transform_2, window_bounds = array<i64: 1024, 256>}]} {
    %get3A = arith.constant 0 : index
    %get3A_0 = arith.constant 0 : index
    %get3A_1 = vector.load %arg1[%get3A, %get3A_0] : memref<1024x256xf32, #tpu.memory_space<vmem>>, vector<1024x256xf32>
    %get3A_2 = arith.constant 0 : index
    %get3A_3 = arith.constant 0 : index
    %get3A_4 = vector.load %arg2[%get3A_2, %get3A_3] : memref<1024x256xf32, #tpu.memory_space<vmem>>, vector<1024x256xf32>
    %sub3A = arith.subf %get3A_4, %get3A_1 : vector<1024x256xf32>
    %add3A = arith.addf %get3A_1, %sub3A : vector<1024x256xf32>
    %swap3A = arith.constant 0 : index
    %swap3A_5 = arith.constant 0 : index
    %swap3A_6 = vector.load %arg3[%swap3A, %swap3A_5] : memref<1024x256xf32, #tpu.memory_space<vmem>>, vector<1024x256xf32>
    tpu.vector_store %arg3[%swap3A, %swap3A_5], %add3A {strides = array<i32>} : memref<1024x256xf32, #tpu.memory_space<vmem>>, vector<1024x256xf32>,
    return
  }
  func.func @transform_0(%arg0: i32) -> (i32, i32) {
    %c0_i32 = arith.constant 0 : i32
    %c0_i32_0 = arith.constant 0 : i32
    return %arg0, %c0_i32 : i32, i32
  }
  func.func @transform_1(%arg0: i32) -> (i32, i32) {
    %c0_i32 = arith.constant 0 : i32
    %c0_i32_0 = arith.constant 0 : i32
    return %arg0, %c0_i32 : i32, i32
  }
  func.func @transform_2(%arg0: i32) -> (i32, i32) {
    %c0_i32 = arith.constant 0 : i32
    %c0_i32_0 = arith.constant 0 : i32
    return %arg0, %c0_i32 : i32, i32
  }
}

module attributes {stable_mosaic.version = 14 : i64} {
  func.func @_fused_body(%arg0: i32, %arg1: i32, %arg2: memref<1024x256xf32, #tpu.memory_space<vmem>>, %arg3: memref<2048x256xf32, #tpu.memory_space<vmem>>, %arg4: memref<1x2048xf32, #tpu.memory_space<vmem>>, %arg5: memref<1x2048xi32, #tpu.memory_space<vmem>>, %arg6: memref<4096x8192xf32, #tpu.memory_space<any>>, %arg7: memref<1x1024x1xi32, #tpu.memory_space<vmem>>, %arg8: memref<1x1xf32, #tpu.memory_space<smem>>, %arg9: memref<1x1xf32, #tpu.memory_space<smem>>, %arg10: memref<1024x256xf32, #tpu.memory_space<vmem>>, %arg11: memref<1024x1xf32, #tpu.memory_space<vmem>>, %arg12: memref<1x8192xf32, #tpu.memory_space<vmem>>, %arg13: memref<1x8192xf32, #tpu.memory_space<vmem>>, %arg14: memref<1024x1xf32, #tpu.memory_space<vmem>>, %arg15: memref<1024x1xi32, #tpu.memory_space<vmem>>, %arg16: memref<1024x1xi32, #tpu.memory_space<vmem>>, %arg17: memref<1024x1xi32, #tpu.memory_space<vmem>>, %arg18: memref<1024x2048xf32, #tpu.memory_space<vmem>>, %arg19: memref<1024x2048xf32, #tpu.memory_space<vmem>>, %arg20: memref<1x1xf32, #tpu.memory_space<smem>>, %arg21: memref<!tpu.dma_semaphore, #tpu.memory_space<semaphore_mem>>, %arg22: memref<!tpu.dma_semaphore, #tpu.memory_space<semaphore_mem>>) attributes {dimension_semantics = [#tpu.dimension_semantics<arbitrary>, #tpu.dimension_semantics<arbitrary>], iteration_bounds = array<i64: 5, 4>, scalar_prefetch = 0 : i64, scratch_operands = 13 : i64, tpu.core_type = #tpu.core_type<tc>, window_params = [{transform_indices = @transform_0, window_bounds = array<i64: 1024, 256>}, {transform_indices = @transform_1, window_bounds = array<i64: 2048, 256>}, {pipeline_mode = #tpu.pipeline_mode<synchronous>, transform_indices = @transform_2, window_bounds = array<i64: 1, 2048>}, {pipeline_mode = #tpu.pipeline_mode<synchronous>, transform_indices = @transform_3, window_bounds = array<i64: 1, 2048>}, {}, {transform_indices = @transform_5, window_bounds = array<i64: 1, 1024, 1>}, {transform_indices = @transform_6, window_bounds = array<i64: 1, 1>}, {transform_indices = @transform_7, window_bounds = array<i64: 1, 1>}]} {
    %lt3A = arith.constant 4 : i32
    %lt3A_0 = arith.cmpi slt, %arg0, %lt3A : i32
    %convert_element_type3A = arith.extui %lt3A_0 : i1 to i32
    %cond3A = arith.constant 0 : i32
    %cond3A_1 = arith.cmpi ne, %convert_element_type3A, %cond3A : i32
    scf.if %cond3A_1 {
      %eq3A_12 = arith.constant 0 : i32
      %eq3A_13 = arith.cmpi eq, %arg1, %eq3A_12 : i32
      %convert_element_type3A_14 = arith.extui %eq3A_13 : i1 to i32
      %cond3A_15 = arith.constant 0 : i32
      %cond3A_16 = arith.cmpi ne, %convert_element_type3A_14, %cond3A_15 : i32
      scf.if %cond3A_16 {
        %get3A_69 = arith.constant 0 : index
        %get3A_70 = arith.constant 0 : index
        %get3A_71 = vector.load %arg2[%get3A_69, %get3A_70] : memref<1024x256xf32, #tpu.memory_space<vmem>>, vector<1024x256xf32>
        %mul3A_72 = arith.constant -2.000000e+00 : f32
        %mul3A_73 = vector.broadcast %mul3A_72 : f32 to vector<1024x256xf32>
        %mul3A_74 = arith.mulf %get3A_71, %mul3A_73 : vector<1024x256xf32>
        %swap3A = arith.constant 0 : index
        %swap3A_75 = arith.constant 0 : index
        %swap3A_76 = vector.load %arg10[%swap3A, %swap3A_75] : memref<1024x256xf32, #tpu.memory_space<vmem>>, vector<1024x256xf32>
        tpu.vector_store %arg10[%swap3A, %swap3A_75], %mul3A_74 {strides = array<i32>} : memref<1024x256xf32, #tpu.memory_space<vmem>>, vector<1024x256xf32>,
        %mul3A_77 = arith.mulf %get3A_71, %get3A_71 : vector<1024x256xf32>
        %reduce_sum3A = arith.constant dense<0.000000e+00> : vector<1024xf32>
        %reduce_sum3A_78 = vector.multi_reduction <add>, %mul3A_77, %reduce_sum3A [1] : vector<1024x256xf32> to vector<1024xf32>
        %broadcast_in_dim3A_79 = vector.shape_cast %reduce_sum3A_78 : vector<1024xf32> to vector<1024x1xf32>
        %swap3A_80 = arith.constant 0 : index
        %swap3A_81 = arith.constant 0 : index
        %swap3A_82 = vector.load %arg11[%swap3A_80, %swap3A_81] : memref<1024x1xf32, #tpu.memory_space<vmem>>, vector<1024x1xf32>
        tpu.vector_store %arg11[%swap3A_80, %swap3A_81], %broadcast_in_dim3A_79 {strides = array<i32>} : memref<1024x1xf32, #tpu.memory_space<vmem>>, vector<1024x1xf32>,
      } else {
      }
      %get3A = arith.constant 0 : index
      %get3A_17 = arith.constant 0 : index
      %get3A_18 = vector.load %arg3[%get3A, %get3A_17] : memref<2048x256xf32, #tpu.memory_space<vmem>>, vector<2048x256xf32>
      %eq3A_19 = arith.constant 0 : i32
      %eq3A_20 = arith.cmpi eq, %arg0, %eq3A_19 : i32
      %convert_element_type3A_21 = arith.extui %eq3A_20 : i1 to i32
      %cond3A_22 = arith.constant 0 : i32
      %cond3A_23 = arith.cmpi ne, %convert_element_type3A_21, %cond3A_22 : i32
      scf.if %cond3A_23 {
        %broadcast_in_dim3A_69 = arith.constant 1.000000e+00 : f32
        %broadcast_in_dim3A_70 = vector.broadcast %broadcast_in_dim3A_69 : f32 to vector<1x256xf32>
        %mul3A_71 = arith.mulf %get3A_18, %get3A_18 : vector<2048x256xf32>
        %dot_general3A_72 = arith.constant dense<0.000000e+00> : vector<1x2048xf32>
        %dot_general3A_73 = tpu.matmul %broadcast_in_dim3A_70, %mul3A_71, %dot_general3A_72 {dimension_numbers = #tpu.dot_dimension_numbers<[1], [1], [0], [0], [0, 0, 1, 0], [], []>, transpose_lhs_hint = false} : vector<1x256xf32>, vector<2048x256xf32>, vector<1x2048xf32> -> vector<1x2048xf32>
        %mul3A_74 = arith.constant 2048 : i32
        %mul3A_75 = arith.muli %arg1, %mul3A_74 : i32
        %swap3A = arith.constant 0 : index
        %swap3A_76 = arith.index_cast %mul3A_75 : i32 to index
        %swap3A_77 = vector.load %arg12[%swap3A, %swap3A_76] : memref<1x8192xf32, #tpu.memory_space<vmem>>, vector<1x2048xf32>
        tpu.vector_store %arg12[%swap3A, %swap3A_76], %dot_general3A_73 {strides = array<i32>} : memref<1x8192xf32, #tpu.memory_space<vmem>>, vector<1x2048xf32>,
      } else {
      }
      %get3A_24 = arith.constant 0 : index
      %get3A_25 = arith.constant 0 : index
      %get3A_26 = vector.load %arg10[%get3A_24, %get3A_25] : memref<1024x256xf32, #tpu.memory_space<vmem>>, vector<1024x256xf32>
      %dot_general3A = arith.constant dense<0.000000e+00> : vector<1024x2048xf32>
      %dot_general3A_27 = tpu.matmul %get3A_26, %get3A_18, %dot_general3A {dimension_numbers = #tpu.dot_dimension_numbers<[1], [1], [0], [0], [0, 0, 1, 0], [], []>, transpose_lhs_hint = false} : vector<1024x256xf32>, vector<2048x256xf32>, vector<1024x2048xf32> -> vector<1024x2048xf32>
      %get3A_28 = arith.constant 0 : index
      %get3A_29 = arith.constant 0 : index
      %get3A_30 = vector.load %arg11[%get3A_28, %get3A_29] : memref<1024x1xf32, #tpu.memory_space<vmem>>, vector<1024x1xf32>
      %mul3A = arith.constant 2048 : i32
      %mul3A_31 = arith.muli %arg1, %mul3A : i32
      %get3A_32 = arith.constant 0 : index
      %get3A_33 = arith.index_cast %mul3A_31 : i32 to index
      %get3A_34 = vector.load %arg12[%get3A_32, %get3A_33] : memref<1x8192xf32, #tpu.memory_space<vmem>>, vector<1x2048xf32>
      %add3A = vector.broadcast %get3A_30 : vector<1024x1xf32> to vector<1024x2048xf32>
      %add3A_35 = vector.broadcast %get3A_34 : vector<1x2048xf32> to vector<1024x2048xf32>
      %add3A_36 = arith.addf %add3A, %add3A_35 : vector<1024x2048xf32>
      %add3A_37 = arith.addf %add3A_36, %dot_general3A_27 : vector<1024x2048xf32>
      %reduce_min3A = arith.constant dense<0x7F800000> : vector<1024xf32>
      %reduce_min3A_38 = vector.multi_reduction <minimumf>, %add3A_37, %reduce_min3A [1] : vector<1024x2048xf32> to vector<1024xf32>
      %broadcast_in_dim3A = vector.shape_cast %reduce_min3A_38 : vector<1024xf32> to vector<1024x1xf32>
      %eq3A_39 = vector.broadcast %broadcast_in_dim3A : vector<1024x1xf32> to vector<1024x2048xf32>
      %eq3A_40 = arith.cmpf oeq, %add3A_37, %eq3A_39 : vector<1024x2048xf32>
      %get3A_41 = arith.constant 0 : index
      %get3A_42 = arith.constant 0 : index
      %get3A_43 = vector.load %arg4[%get3A_41, %get3A_42] : memref<1x2048xf32, #tpu.memory_space<vmem>>, vector<1x2048xf32>
      %jit3A = arith.constant 1.000000e+09 : f32
      %broadcast_in_dim3A_44 = vector.shape_cast %get3A_43 : vector<1x2048xf32> to vector<1x2048xf32>
      %broadcast_in_dim3A_45 = vector.broadcast %broadcast_in_dim3A_44 : vector<1x2048xf32> to vector<1024x2048xf32>
      %broadcast_in_dim3A_46 = vector.broadcast %jit3A : f32 to vector<1024x2048xf32>
      %select_n3A = arith.select %eq3A_40, %broadcast_in_dim3A_45, %broadcast_in_dim3A_46 : vector<1024x2048xi1>, vector<1024x2048xf32>
      %reduce_min3A_47 = arith.constant dense<0x7F800000> : vector<1024xf32>
      %reduce_min3A_48 = vector.multi_reduction <minimumf>, %select_n3A, %reduce_min3A_47 [1] : vector<1024x2048xf32> to vector<1024xf32>
      %broadcast_in_dim3A_49 = vector.shape_cast %reduce_min3A_48 : vector<1024xf32> to vector<1024x1xf32>
      %convert_element_type3A_50 = arith.fptosi %broadcast_in_dim3A_49 : vector<1024x1xf32> to vector<1024x1xi32>
      %mul3A_51 = arith.constant 2048 : i32
      %mul3A_52 = arith.muli %arg1, %mul3A_51 : i32
      %add3A_53 = vector.broadcast %mul3A_52 : i32 to vector<1024x1xi32>
      %add3A_54 = arith.addi %convert_element_type3A_50, %add3A_53 : vector<1024x1xi32>
      %eq3A_55 = arith.constant 0 : i32
      %eq3A_56 = arith.cmpi eq, %arg1, %eq3A_55 : i32
      %convert_element_type3A_57 = arith.extui %eq3A_56 : i1 to i32
      %cond3A_58 = arith.constant 0 : i32
      %cond3A_59 = arith.cmpi ne, %convert_element_type3A_57, %cond3A_58 : i32
      scf.if %cond3A_59 {
        %swap3A = arith.constant 0 : index
        %swap3A_69 = arith.constant 0 : index
        %swap3A_70 = vector.load %arg14[%swap3A, %swap3A_69] : memref<1024x1xf32, #tpu.memory_space<vmem>>, vector<1024x1xf32>
        tpu.vector_store %arg14[%swap3A, %swap3A_69], %broadcast_in_dim3A {strides = array<i32>} : memref<1024x1xf32, #tpu.memory_space<vmem>>, vector<1024x1xf32>,
        %swap3A_71 = arith.constant 0 : index
        %swap3A_72 = arith.constant 0 : index
        %swap3A_73 = vector.load %arg15[%swap3A_71, %swap3A_72] : memref<1024x1xi32, #tpu.memory_space<vmem>>, vector<1024x1xi32>
        tpu.vector_store %arg15[%swap3A_71, %swap3A_72], %add3A_54 {strides = array<i32>} : memref<1024x1xi32, #tpu.memory_space<vmem>>, vector<1024x1xi32>,
      } else {
      }
      %gt3A = arith.constant 0 : i32
      %gt3A_60 = arith.cmpi sgt, %arg1, %gt3A : i32
      %convert_element_type3A_61 = arith.extui %gt3A_60 : i1 to i32
      %cond3A_62 = arith.constant 0 : i32
      %cond3A_63 = arith.cmpi ne, %convert_element_type3A_61, %cond3A_62 : i32
      scf.if %cond3A_63 {
        %get3A_69 = arith.constant 0 : index
        %get3A_70 = arith.constant 0 : index
        %get3A_71 = vector.load %arg14[%get3A_69, %get3A_70] : memref<1024x1xf32, #tpu.memory_space<vmem>>, vector<1024x1xf32>
        %lt3A_72 = arith.cmpf olt, %broadcast_in_dim3A, %get3A_71 : vector<1024x1xf32>
        %get3A_73 = arith.constant 0 : index
        %get3A_74 = arith.constant 0 : index
        %get3A_75 = vector.load %arg14[%get3A_73, %get3A_74] : memref<1024x1xf32, #tpu.memory_space<vmem>>, vector<1024x1xf32>
        %select_n3A_76 = arith.select %lt3A_72, %broadcast_in_dim3A, %get3A_75 : vector<1024x1xi1>, vector<1024x1xf32>
        %swap3A = arith.constant 0 : index
        %swap3A_77 = arith.constant 0 : index
        %swap3A_78 = vector.load %arg14[%swap3A, %swap3A_77] : memref<1024x1xf32, #tpu.memory_space<vmem>>, vector<1024x1xf32>
        tpu.vector_store %arg14[%swap3A, %swap3A_77], %select_n3A_76 {strides = array<i32>} : memref<1024x1xf32, #tpu.memory_space<vmem>>, vector<1024x1xf32>,
        %get3A_79 = arith.constant 0 : index
        %get3A_80 = arith.constant 0 : index
        %get3A_81 = vector.load %arg15[%get3A_79, %get3A_80] : memref<1024x1xi32, #tpu.memory_space<vmem>>, vector<1024x1xi32>
        %select_n3A_82 = arith.select %lt3A_72, %add3A_54, %get3A_81 : vector<1024x1xi1>, vector<1024x1xi32>
        %swap3A_83 = arith.constant 0 : index
        %swap3A_84 = arith.constant 0 : index
        %swap3A_85 = vector.load %arg15[%swap3A_83, %swap3A_84] : memref<1024x1xi32, #tpu.memory_space<vmem>>, vector<1024x1xi32>
        tpu.vector_store %arg15[%swap3A_83, %swap3A_84], %select_n3A_82 {strides = array<i32>} : memref<1024x1xi32, #tpu.memory_space<vmem>>, vector<1024x1xi32>,
      } else {
      }
      %eq3A_64 = arith.constant 3 : i32
      %eq3A_65 = arith.cmpi eq, %arg1, %eq3A_64 : i32
      %convert_element_type3A_66 = arith.extui %eq3A_65 : i1 to i32
      %cond3A_67 = arith.constant 0 : i32
      %cond3A_68 = arith.cmpi ne, %convert_element_type3A_66, %cond3A_67 : i32
      scf.if %cond3A_68 {
        %get3A_69 = arith.constant 0 : index
        %get3A_70 = arith.constant 0 : index
        %get3A_71 = vector.load %arg15[%get3A_69, %get3A_70] : memref<1024x1xi32, #tpu.memory_space<vmem>>, vector<1024x1xi32>
        %reshape3A = vector.shape_cast %get3A_71 : vector<1024x1xi32> to vector<1x1024x1xi32>
        %swap3A = arith.constant 0 : index
        %swap3A_72 = arith.constant 0 : index
        %swap3A_73 = arith.constant 0 : index
        %swap3A_74 = vector.load %arg7[%swap3A, %swap3A_72, %swap3A_73] : memref<1x1024x1xi32, #tpu.memory_space<vmem>>, vector<1x1024x1xi32>
        tpu.vector_store %arg7[%swap3A, %swap3A_72, %swap3A_73], %reshape3A {strides = array<i32>} : memref<1x1024x1xi32, #tpu.memory_space<vmem>>, vector<1x1024x1xi32>,
        %jit3A_75 = arith.constant 2 : i32
        %eq3A_76 = arith.constant 0 : i32
        %eq3A_77 = arith.cmpi eq, %jit3A_75, %eq3A_76 : i32
        %jit3A_78 = arith.constant 1 : i32
        %select_n3A_79 = arith.select %eq3A_77, %jit3A_78, %jit3A_75 : i32
        %rem3A = arith.remsi %arg0, %select_n3A_79 : i32
        %ne3A = arith.constant 0 : i32
        %ne3A_80 = arith.cmpi ne, %rem3A, %ne3A : i32
        %lt3A_81 = arith.constant 0 : i32
        %lt3A_82 = arith.cmpi slt, %rem3A, %lt3A_81 : i32
        %lt3A_83 = arith.constant 0 : i32
        %lt3A_84 = arith.cmpi slt, %select_n3A_79, %lt3A_83 : i32
        %ne3A_85 = arith.xori %lt3A_82, %lt3A_84 : i1
        %and3A_86 = arith.andi %ne3A_85, %ne3A_80 : i1
        %add3A_87 = arith.addi %rem3A, %select_n3A_79 : i32
        %select_n3A_88 = arith.select %and3A_86, %add3A_87, %rem3A : i32
        %eq3A_89 = arith.constant 0 : i32
        %eq3A_90 = arith.cmpi eq, %select_n3A_88, %eq3A_89 : i32
        %convert_element_type3A_91 = arith.extui %eq3A_90 : i1 to i32
        %cond3A_92 = arith.constant 0 : i32
        %cond3A_93 = arith.cmpi ne, %convert_element_type3A_91, %cond3A_92 : i32
        scf.if %cond3A_93 {
          %get3A_132 = arith.constant 0 : index
          %get3A_133 = arith.constant 0 : index
          %get3A_134 = vector.load %arg15[%get3A_132, %get3A_133] : memref<1024x1xi32, #tpu.memory_space<vmem>>, vector<1024x1xi32>
          %swap3A_135 = arith.constant 0 : index
          %swap3A_136 = arith.constant 0 : index
          %swap3A_137 = vector.load %arg16[%swap3A_135, %swap3A_136] : memref<1024x1xi32, #tpu.memory_space<vmem>>, vector<1024x1xi32>
          tpu.vector_store %arg16[%swap3A_135, %swap3A_136], %get3A_134 {strides = array<i32>} : memref<1024x1xi32, #tpu.memory_space<vmem>>, vector<1024x1xi32>,
        } else {
        }
        %jit3A_94 = arith.constant 2 : i32
        %eq3A_95 = arith.constant 0 : i32
        %eq3A_96 = arith.cmpi eq, %jit3A_94, %eq3A_95 : i32
        %jit3A_97 = arith.constant 1 : i32
        %select_n3A_98 = arith.select %eq3A_96, %jit3A_97, %jit3A_94 : i32
        %rem3A_99 = arith.remsi %arg0, %select_n3A_98 : i32
        %ne3A_100 = arith.constant 0 : i32
        %ne3A_101 = arith.cmpi ne, %rem3A_99, %ne3A_100 : i32
        %lt3A_102 = arith.constant 0 : i32
        %lt3A_103 = arith.cmpi slt, %rem3A_99, %lt3A_102 : i32
        %lt3A_104 = arith.constant 0 : i32
        %lt3A_105 = arith.cmpi slt, %select_n3A_98, %lt3A_104 : i32
        %ne3A_106 = arith.xori %lt3A_103, %lt3A_105 : i1
        %and3A_107 = arith.andi %ne3A_106, %ne3A_101 : i1
        %add3A_108 = arith.addi %rem3A_99, %select_n3A_98 : i32
        %select_n3A_109 = arith.select %and3A_107, %add3A_108, %rem3A_99 : i32
        %eq3A_110 = arith.constant 1 : i32
        %eq3A_111 = arith.cmpi eq, %select_n3A_109, %eq3A_110 : i32
        %convert_element_type3A_112 = arith.extui %eq3A_111 : i1 to i32
        %cond3A_113 = arith.constant 0 : i32
        %cond3A_114 = arith.cmpi ne, %convert_element_type3A_112, %cond3A_113 : i32
        scf.if %cond3A_114 {
          %get3A_132 = arith.constant 0 : index
          %get3A_133 = arith.constant 0 : index
          %get3A_134 = vector.load %arg15[%get3A_132, %get3A_133] : memref<1024x1xi32, #tpu.memory_space<vmem>>, vector<1024x1xi32>
          %swap3A_135 = arith.constant 0 : index
          %swap3A_136 = arith.constant 0 : index
          %swap3A_137 = vector.load %arg17[%swap3A_135, %swap3A_136] : memref<1024x1xi32, #tpu.memory_space<vmem>>, vector<1024x1xi32>
          tpu.vector_store %arg17[%swap3A_135, %swap3A_136], %get3A_134 {strides = array<i32>} : memref<1024x1xi32, #tpu.memory_space<vmem>>, vector<1024x1xi32>,
        } else {
        }
        %get3A_115 = arith.constant 0 : index
        %get3A_116 = arith.constant 0 : index
        %get3A_117 = vector.load %arg14[%get3A_115, %get3A_116] : memref<1024x1xf32, #tpu.memory_space<vmem>>, vector<1024x1xf32>
        %reduce_sum3A = vector.shape_cast %get3A_117 : vector<1024x1xf32> to vector<1x1024x1xf32>
        %reduce_sum3A_118 = arith.constant dense<0.000000e+00> : vector<1xf32>
        %reduce_sum3A_119 = vector.multi_reduction <add>, %reduce_sum3A, %reduce_sum3A_118 [1, 2] : vector<1x1024x1xf32> to vector<1xf32>
        %reduce_sum3A_120 = vector.shape_cast %reduce_sum3A_119 : vector<1xf32> to vector<1x1x1xf32>
        %reduce_sum3A_121 = vector.extract %reduce_sum3A_120[0, 0, 0] : f32 from vector<1x1x1xf32>
        %eq3A_122 = arith.constant 0 : i32
        %eq3A_123 = arith.cmpi eq, %arg0, %eq3A_122 : i32
        %convert_element_type3A_124 = arith.extui %eq3A_123 : i1 to i32
        %cond3A_125 = arith.constant 0 : i32
        %cond3A_126 = arith.cmpi ne, %convert_element_type3A_124, %cond3A_125 : i32
        scf.if %cond3A_126 {
          %swap3A_132 = arith.constant 0 : index
          %swap3A_133 = arith.constant 0 : index
          %swap3A_134 = memref.load %arg20[%swap3A_132, %swap3A_133] : memref<1x1xf32, #tpu.memory_space<smem>>
          memref.store %reduce_sum3A_121, %arg20[%swap3A_132, %swap3A_133] : memref<1x1xf32, #tpu.memory_space<smem>>
        } else {
        }
        %gt3A_127 = arith.constant 0 : i32
        %gt3A_128 = arith.cmpi sgt, %arg0, %gt3A_127 : i32
        %convert_element_type3A_129 = arith.extui %gt3A_128 : i1 to i32
        %cond3A_130 = arith.constant 0 : i32
        %cond3A_131 = arith.cmpi ne, %convert_element_type3A_129, %cond3A_130 : i32
        scf.if %cond3A_131 {
          %get3A_132 = arith.constant 0 : index
          %get3A_133 = arith.constant 0 : index
          %get3A_134 = memref.load %arg20[%get3A_132, %get3A_133] : memref<1x1xf32, #tpu.memory_space<smem>>
          %add3A_135 = arith.addf %get3A_134, %reduce_sum3A_121 : f32
          %swap3A_136 = arith.constant 0 : index
          %swap3A_137 = arith.constant 0 : index
          %swap3A_138 = memref.load %arg20[%swap3A_136, %swap3A_137] : memref<1x1xf32, #tpu.memory_space<smem>>
          memref.store %add3A_135, %arg20[%swap3A_136, %swap3A_137] : memref<1x1xf32, #tpu.memory_space<smem>>
        } else {
        }
      } else {
      }
    } else {
    }
    %ge3A = arith.constant 1 : i32
    %ge3A_2 = arith.cmpi sge, %arg0, %ge3A : i32
    %convert_element_type3A_3 = arith.extui %ge3A_2 : i1 to i32
    %cond3A_4 = arith.constant 0 : i32
    %cond3A_5 = arith.cmpi ne, %convert_element_type3A_3, %cond3A_4 : i32
    scf.if %cond3A_5 {
      %sub3A = arith.constant 1 : i32
      %sub3A_12 = arith.subi %arg0, %sub3A : i32
      %jit3A = arith.constant 2 : i32
      %eq3A_13 = arith.constant 0 : i32
      %eq3A_14 = arith.cmpi eq, %jit3A, %eq3A_13 : i32
      %jit3A_15 = arith.constant 1 : i32
      %select_n3A = arith.select %eq3A_14, %jit3A_15, %jit3A : i32
      %rem3A = arith.remsi %sub3A_12, %select_n3A : i32
      %ne3A = arith.constant 0 : i32
      %ne3A_16 = arith.cmpi ne, %rem3A, %ne3A : i32
      %lt3A_17 = arith.constant 0 : i32
      %lt3A_18 = arith.cmpi slt, %rem3A, %lt3A_17 : i32
      %lt3A_19 = arith.constant 0 : i32
      %lt3A_20 = arith.cmpi slt, %select_n3A, %lt3A_19 : i32
      %ne3A_21 = arith.xori %lt3A_18, %lt3A_20 : i1
      %and3A_22 = arith.andi %ne3A_21, %ne3A_16 : i1
      %add3A = arith.addi %rem3A, %select_n3A : i32
      %select_n3A_23 = arith.select %and3A_22, %add3A, %rem3A : i32
      %eq3A_24 = arith.constant 0 : i32
      %eq3A_25 = arith.cmpi eq, %select_n3A_23, %eq3A_24 : i32
      %get3A = arith.constant 0 : index
      %get3A_26 = arith.constant 0 : index
      %get3A_27 = vector.load %arg16[%get3A, %get3A_26] : memref<1024x1xi32, #tpu.memory_space<vmem>>, vector<1024x1xi32>
      %get3A_28 = arith.constant 0 : index
      %get3A_29 = arith.constant 0 : index
      %get3A_30 = vector.load %arg17[%get3A_28, %get3A_29] : memref<1024x1xi32, #tpu.memory_space<vmem>>, vector<1024x1xi32>
      %select_n3A_31 = arith.select %eq3A_25, %get3A_27, %get3A_30 : vector<1024x1xi32>
      %mul3A = arith.constant 2048 : i32
      %mul3A_32 = arith.muli %arg1, %mul3A : i32
      %sub3A_33 = vector.broadcast %mul3A_32 : i32 to vector<1024x1xi32>
      %sub3A_34 = arith.subi %select_n3A_31, %sub3A_33 : vector<1024x1xi32>
      %sub3A_35 = arith.constant 1 : i32
      %sub3A_36 = arith.subi %arg0, %sub3A_35 : i32
      %mul3A_37 = arith.constant 4 : i32
      %mul3A_38 = arith.muli %sub3A_36, %mul3A_37 : i32
      %add3A_39 = arith.addi %mul3A_38, %arg1 : i32
      %sub3A_40 = arith.constant 1 : i32
      %sub3A_41 = arith.subi %arg0, %sub3A_40 : i32
      %mul3A_42 = arith.constant 1024 : i32
      %mul3A_43 = arith.muli %sub3A_41, %mul3A_42 : i32
      %mul3A_44 = arith.constant 2048 : i32
      %mul3A_45 = arith.muli %arg1, %mul3A_44 : i32
      %jit3A_46 = arith.constant 2 : i32
      %eq3A_47 = arith.constant 0 : i32
      %eq3A_48 = arith.cmpi eq, %jit3A_46, %eq3A_47 : i32
      %jit3A_49 = arith.constant 1 : i32
      %select_n3A_50 = arith.select %eq3A_48, %jit3A_49, %jit3A_46 : i32
      %rem3A_51 = arith.remsi %add3A_39, %select_n3A_50 : i32
      %ne3A_52 = arith.constant 0 : i32
      %ne3A_53 = arith.cmpi ne, %rem3A_51, %ne3A_52 : i32
      %lt3A_54 = arith.constant 0 : i32
      %lt3A_55 = arith.cmpi slt, %rem3A_51, %lt3A_54 : i32
      %lt3A_56 = arith.constant 0 : i32
      %lt3A_57 = arith.cmpi slt, %select_n3A_50, %lt3A_56 : i32
      %ne3A_58 = arith.xori %lt3A_55, %lt3A_57 : i1
      %and3A_59 = arith.andi %ne3A_58, %ne3A_53 : i1
      %add3A_60 = arith.addi %rem3A_51, %select_n3A_50 : i32
      %select_n3A_61 = arith.select %and3A_59, %add3A_60, %rem3A_51 : i32
      %eq3A_62 = arith.constant 0 : i32
      %eq3A_63 = arith.cmpi eq, %select_n3A_61, %eq3A_62 : i32
      %convert_element_type3A_64 = arith.extui %eq3A_63 : i1 to i32
      %cond3A_65 = arith.constant 0 : i32
      %cond3A_66 = arith.cmpi ne, %convert_element_type3A_64, %cond3A_65 : i32
      scf.if %cond3A_66 {
        %ge3A_88 = arith.constant 2 : i32
        %ge3A_89 = arith.cmpi sge, %add3A_39, %ge3A_88 : i32
        %convert_element_type3A_90 = arith.extui %ge3A_89 : i1 to i32
        %cond3A_91 = arith.constant 0 : i32
        %cond3A_92 = arith.cmpi ne, %convert_element_type3A_90, %cond3A_91 : i32
        scf.if %cond3A_92 {
          %dma_wait3A = tpu.memref_slice %arg6[%mul3A_43, %mul3A_45] : memref<4096x8192xf32, #tpu.memory_space<any>> -> memref<1024x2048xf32, #tpu.memory_space<any>>
          tpu.wait_dma2 semaphore(%arg21 : memref<!tpu.dma_semaphore, #tpu.memory_space<semaphore_mem>>) src(%arg18 : memref<1024x2048xf32, #tpu.memory_space<vmem>>) dst(%dma_wait3A : memref<1024x2048xf32, #tpu.memory_space<any>>)
        } else {
        }
        %get3A_93 = arith.constant 0 : index
        %get3A_94 = arith.constant 0 : index
        %get3A_95 = vector.load %arg5[%get3A_93, %get3A_94] : memref<1x2048xi32, #tpu.memory_space<vmem>>, vector<1x2048xi32>
        %eq3A_96 = vector.broadcast %sub3A_34 : vector<1024x1xi32> to vector<1024x2048xi32>
        %eq3A_97 = vector.broadcast %get3A_95 : vector<1x2048xi32> to vector<1024x2048xi32>
        %eq3A_98 = arith.cmpi eq, %eq3A_96, %eq3A_97 : vector<1024x2048xi32>
        %convert_element_type3A_99 = arith.extui %eq3A_98 : vector<1024x2048xi1> to vector<1024x2048xi32>
        %convert_element_type3A_100 = arith.sitofp %convert_element_type3A_99 : vector<1024x2048xi32> to vector<1024x2048xf32>
        %swap3A = arith.constant 0 : index
        %swap3A_101 = arith.constant 0 : index
        %swap3A_102 = vector.load %arg18[%swap3A, %swap3A_101] : memref<1024x2048xf32, #tpu.memory_space<vmem>>, vector<1024x2048xf32>
        tpu.vector_store %arg18[%swap3A, %swap3A_101], %convert_element_type3A_100 {strides = array<i32>} : memref<1024x2048xf32, #tpu.memory_space<vmem>>, vector<1024x2048xf32>,
        %get3A_103 = arith.constant 0 : index
        %get3A_104 = arith.constant 0 : index
        %get3A_105 = vector.load %arg18[%get3A_103, %get3A_104] : memref<1024x2048xf32, #tpu.memory_space<vmem>>, vector<1024x2048xf32>
        %reduce_sum3A = arith.constant dense<0.000000e+00> : vector<2048xf32>
        %reduce_sum3A_106 = vector.multi_reduction <add>, %get3A_105, %reduce_sum3A [0] : vector<1024x2048xf32> to vector<2048xf32>
        %broadcast_in_dim3A = vector.shape_cast %reduce_sum3A_106 : vector<2048xf32> to vector<1x2048xf32>
        %eq3A_107 = arith.constant 1 : i32
        %eq3A_108 = arith.cmpi eq, %arg0, %eq3A_107 : i32
        %convert_element_type3A_109 = arith.extui %eq3A_108 : i1 to i32
        %cond3A_110 = arith.constant 0 : i32
        %cond3A_111 = arith.cmpi ne, %convert_element_type3A_109, %cond3A_110 : i32
        scf.if %cond3A_111 {
          %mul3A_116 = arith.constant 2048 : i32
          %mul3A_117 = arith.muli %arg1, %mul3A_116 : i32
          %swap3A_118 = arith.constant 0 : index
          %swap3A_119 = arith.index_cast %mul3A_117 : i32 to index
          %swap3A_120 = vector.load %arg13[%swap3A_118, %swap3A_119] : memref<1x8192xf32, #tpu.memory_space<vmem>>, vector<1x2048xf32>
          tpu.vector_store %arg13[%swap3A_118, %swap3A_119], %broadcast_in_dim3A {strides = array<i32>} : memref<1x8192xf32, #tpu.memory_space<vmem>>, vector<1x2048xf32>,
        } else {
        }
        %gt3A = arith.constant 1 : i32
        %gt3A_112 = arith.cmpi sgt, %arg0, %gt3A : i32
        %convert_element_type3A_113 = arith.extui %gt3A_112 : i1 to i32
        %cond3A_114 = arith.constant 0 : i32
        %cond3A_115 = arith.cmpi ne, %convert_element_type3A_113, %cond3A_114 : i32
        scf.if %cond3A_115 {
          %mul3A_116 = arith.constant 2048 : i32
          %mul3A_117 = arith.muli %arg1, %mul3A_116 : i32
          %get3A_118 = arith.constant 0 : index
          %get3A_119 = arith.index_cast %mul3A_117 : i32 to index
          %get3A_120 = vector.load %arg13[%get3A_118, %get3A_119] : memref<1x8192xf32, #tpu.memory_space<vmem>>, vector<1x2048xf32>
          %add3A_121 = arith.addf %get3A_120, %broadcast_in_dim3A : vector<1x2048xf32>
          %mul3A_122 = arith.constant 2048 : i32
          %mul3A_123 = arith.muli %arg1, %mul3A_122 : i32
          %swap3A_124 = arith.constant 0 : index
          %swap3A_125 = arith.index_cast %mul3A_123 : i32 to index
          %swap3A_126 = vector.load %arg13[%swap3A_124, %swap3A_125] : memref<1x8192xf32, #tpu.memory_space<vmem>>, vector<1x2048xf32>
          tpu.vector_store %arg13[%swap3A_124, %swap3A_125], %add3A_121 {strides = array<i32>} : memref<1x8192xf32, #tpu.memory_space<vmem>>, vector<1x2048xf32>,
        } else {
        }
        %dma_start3A = tpu.memref_slice %arg6[%mul3A_43, %mul3A_45] : memref<4096x8192xf32, #tpu.memory_space<any>> -> memref<1024x2048xf32, #tpu.memory_space<any>>
        tpu.enqueue_dma source(%arg18 : memref<1024x2048xf32, #tpu.memory_space<vmem>>) target(%dma_start3A : memref<1024x2048xf32, #tpu.memory_space<any>>) target_semaphore(%arg21 : memref<!tpu.dma_semaphore, #tpu.memory_space<semaphore_mem>>)
      } else {
      }
      %jit3A_67 = arith.constant 2 : i32
      %eq3A_68 = arith.constant 0 : i32
      %eq3A_69 = arith.cmpi eq, %jit3A_67, %eq3A_68 : i32
      %jit3A_70 = arith.constant 1 : i32
      %select_n3A_71 = arith.select %eq3A_69, %jit3A_70, %jit3A_67 : i32
      %rem3A_72 = arith.remsi %add3A_39, %select_n3A_71 : i32
      %ne3A_73 = arith.constant 0 : i32
      %ne3A_74 = arith.cmpi ne, %rem3A_72, %ne3A_73 : i32
      %lt3A_75 = arith.constant 0 : i32
      %lt3A_76 = arith.cmpi slt, %rem3A_72, %lt3A_75 : i32
      %lt3A_77 = arith.constant 0 : i32
      %lt3A_78 = arith.cmpi slt, %select_n3A_71, %lt3A_77 : i32
      %ne3A_79 = arith.xori %lt3A_76, %lt3A_78 : i1
      %and3A_80 = arith.andi %ne3A_79, %ne3A_74 : i1
      %add3A_81 = arith.addi %rem3A_72, %select_n3A_71 : i32
      %select_n3A_82 = arith.select %and3A_80, %add3A_81, %rem3A_72 : i32
      %eq3A_83 = arith.constant 1 : i32
      %eq3A_84 = arith.cmpi eq, %select_n3A_82, %eq3A_83 : i32
      %convert_element_type3A_85 = arith.extui %eq3A_84 : i1 to i32
      %cond3A_86 = arith.constant 0 : i32
      %cond3A_87 = arith.cmpi ne, %convert_element_type3A_85, %cond3A_86 : i32
      scf.if %cond3A_87 {
        %ge3A_88 = arith.constant 2 : i32
        %ge3A_89 = arith.cmpi sge, %add3A_39, %ge3A_88 : i32
        %convert_element_type3A_90 = arith.extui %ge3A_89 : i1 to i32
        %cond3A_91 = arith.constant 0 : i32
        %cond3A_92 = arith.cmpi ne, %convert_element_type3A_90, %cond3A_91 : i32
        scf.if %cond3A_92 {
          %dma_wait3A = tpu.memref_slice %arg6[%mul3A_43, %mul3A_45] : memref<4096x8192xf32, #tpu.memory_space<any>> -> memref<1024x2048xf32, #tpu.memory_space<any>>
          tpu.wait_dma2 semaphore(%arg22 : memref<!tpu.dma_semaphore, #tpu.memory_space<semaphore_mem>>) src(%arg19 : memref<1024x2048xf32, #tpu.memory_space<vmem>>) dst(%dma_wait3A : memref<1024x2048xf32, #tpu.memory_space<any>>)
        } else {
        }
        %get3A_93 = arith.constant 0 : index
        %get3A_94 = arith.constant 0 : index
        %get3A_95 = vector.load %arg5[%get3A_93, %get3A_94] : memref<1x2048xi32, #tpu.memory_space<vmem>>, vector<1x2048xi32>
        %eq3A_96 = vector.broadcast %sub3A_34 : vector<1024x1xi32> to vector<1024x2048xi32>
        %eq3A_97 = vector.broadcast %get3A_95 : vector<1x2048xi32> to vector<1024x2048xi32>
        %eq3A_98 = arith.cmpi eq, %eq3A_96, %eq3A_97 : vector<1024x2048xi32>
        %convert_element_type3A_99 = arith.extui %eq3A_98 : vector<1024x2048xi1> to vector<1024x2048xi32>
        %convert_element_type3A_100 = arith.sitofp %convert_element_type3A_99 : vector<1024x2048xi32> to vector<1024x2048xf32>
        %swap3A = arith.constant 0 : index
        %swap3A_101 = arith.constant 0 : index
        %swap3A_102 = vector.load %arg19[%swap3A, %swap3A_101] : memref<1024x2048xf32, #tpu.memory_space<vmem>>, vector<1024x2048xf32>
        tpu.vector_store %arg19[%swap3A, %swap3A_101], %convert_element_type3A_100 {strides = array<i32>} : memref<1024x2048xf32, #tpu.memory_space<vmem>>, vector<1024x2048xf32>,
        %get3A_103 = arith.constant 0 : index
        %get3A_104 = arith.constant 0 : index
        %get3A_105 = vector.load %arg19[%get3A_103, %get3A_104] : memref<1024x2048xf32, #tpu.memory_space<vmem>>, vector<1024x2048xf32>
        %reduce_sum3A = arith.constant dense<0.000000e+00> : vector<2048xf32>
        %reduce_sum3A_106 = vector.multi_reduction <add>, %get3A_105, %reduce_sum3A [0] : vector<1024x2048xf32> to vector<2048xf32>
        %broadcast_in_dim3A = vector.shape_cast %reduce_sum3A_106 : vector<2048xf32> to vector<1x2048xf32>
        %eq3A_107 = arith.constant 1 : i32
        %eq3A_108 = arith.cmpi eq, %arg0, %eq3A_107 : i32
        %convert_element_type3A_109 = arith.extui %eq3A_108 : i1 to i32
        %cond3A_110 = arith.constant 0 : i32
        %cond3A_111 = arith.cmpi ne, %convert_element_type3A_109, %cond3A_110 : i32
        scf.if %cond3A_111 {
          %mul3A_116 = arith.constant 2048 : i32
          %mul3A_117 = arith.muli %arg1, %mul3A_116 : i32
          %swap3A_118 = arith.constant 0 : index
          %swap3A_119 = arith.index_cast %mul3A_117 : i32 to index
          %swap3A_120 = vector.load %arg13[%swap3A_118, %swap3A_119] : memref<1x8192xf32, #tpu.memory_space<vmem>>, vector<1x2048xf32>
          tpu.vector_store %arg13[%swap3A_118, %swap3A_119], %broadcast_in_dim3A {strides = array<i32>} : memref<1x8192xf32, #tpu.memory_space<vmem>>, vector<1x2048xf32>,
        } else {
        }
        %gt3A = arith.constant 1 : i32
        %gt3A_112 = arith.cmpi sgt, %arg0, %gt3A : i32
        %convert_element_type3A_113 = arith.extui %gt3A_112 : i1 to i32
        %cond3A_114 = arith.constant 0 : i32
        %cond3A_115 = arith.cmpi ne, %convert_element_type3A_113, %cond3A_114 : i32
        scf.if %cond3A_115 {
          %mul3A_116 = arith.constant 2048 : i32
          %mul3A_117 = arith.muli %arg1, %mul3A_116 : i32
          %get3A_118 = arith.constant 0 : index
          %get3A_119 = arith.index_cast %mul3A_117 : i32 to index
          %get3A_120 = vector.load %arg13[%get3A_118, %get3A_119] : memref<1x8192xf32, #tpu.memory_space<vmem>>, vector<1x2048xf32>
          %add3A_121 = arith.addf %get3A_120, %broadcast_in_dim3A : vector<1x2048xf32>
          %mul3A_122 = arith.constant 2048 : i32
          %mul3A_123 = arith.muli %arg1, %mul3A_122 : i32
          %swap3A_124 = arith.constant 0 : index
          %swap3A_125 = arith.index_cast %mul3A_123 : i32 to index
          %swap3A_126 = vector.load %arg13[%swap3A_124, %swap3A_125] : memref<1x8192xf32, #tpu.memory_space<vmem>>, vector<1x2048xf32>
          tpu.vector_store %arg13[%swap3A_124, %swap3A_125], %add3A_121 {strides = array<i32>} : memref<1x8192xf32, #tpu.memory_space<vmem>>, vector<1x2048xf32>,
        } else {
        }
        %dma_start3A = tpu.memref_slice %arg6[%mul3A_43, %mul3A_45] : memref<4096x8192xf32, #tpu.memory_space<any>> -> memref<1024x2048xf32, #tpu.memory_space<any>>
        tpu.enqueue_dma source(%arg19 : memref<1024x2048xf32, #tpu.memory_space<vmem>>) target(%dma_start3A : memref<1024x2048xf32, #tpu.memory_space<any>>) target_semaphore(%arg22 : memref<!tpu.dma_semaphore, #tpu.memory_space<semaphore_mem>>)
      } else {
      }
    } else {
    }
    %eq3A = arith.constant 4 : i32
    %eq3A_6 = arith.cmpi eq, %arg0, %eq3A : i32
    %eq3A_7 = arith.constant 3 : i32
    %eq3A_8 = arith.cmpi eq, %arg1, %eq3A_7 : i32
    %and3A = arith.andi %eq3A_6, %eq3A_8 : i1
    %convert_element_type3A_9 = arith.extui %and3A : i1 to i32
    %cond3A_10 = arith.constant 0 : i32
    %cond3A_11 = arith.cmpi ne, %convert_element_type3A_9, %cond3A_10 : i32
    scf.if %cond3A_11 {
      %dma_wait3A = arith.constant 0 : i32
      %dma_wait3A_12 = arith.constant 0 : i32
      %dma_wait3A_13 = tpu.memref_slice %arg6[%dma_wait3A, %dma_wait3A_12] : memref<4096x8192xf32, #tpu.memory_space<any>> -> memref<1024x2048xf32, #tpu.memory_space<any>>
      tpu.wait_dma2 semaphore(%arg21 : memref<!tpu.dma_semaphore, #tpu.memory_space<semaphore_mem>>) src(%arg18 : memref<1024x2048xf32, #tpu.memory_space<vmem>>) dst(%dma_wait3A_13 : memref<1024x2048xf32, #tpu.memory_space<any>>)
      %dma_wait3A_14 = arith.constant 0 : i32
      %dma_wait3A_15 = arith.constant 0 : i32
      %dma_wait3A_16 = tpu.memref_slice %arg6[%dma_wait3A_14, %dma_wait3A_15] : memref<4096x8192xf32, #tpu.memory_space<any>> -> memref<1024x2048xf32, #tpu.memory_space<any>>
      tpu.wait_dma2 semaphore(%arg22 : memref<!tpu.dma_semaphore, #tpu.memory_space<semaphore_mem>>) src(%arg19 : memref<1024x2048xf32, #tpu.memory_space<vmem>>) dst(%dma_wait3A_16 : memref<1024x2048xf32, #tpu.memory_space<any>>)
      %get3A = arith.constant 0 : index
      %get3A_17 = arith.constant 0 : index
      %get3A_18 = memref.load %arg20[%get3A, %get3A_17] : memref<1x1xf32, #tpu.memory_space<smem>>
      %mul3A = arith.constant 9.53674316E-7 : f32
      %mul3A_19 = arith.mulf %get3A_18, %mul3A : f32
      %mul3A_20 = arith.constant 2.500000e-01 : f32
      %mul3A_21 = arith.mulf %mul3A_20, %mul3A_19 : f32
      %add3A = arith.addf %mul3A_19, %mul3A_21 : f32
      %swap3A = arith.constant 0 : index
      %swap3A_22 = arith.constant 0 : index
      %swap3A_23 = memref.load %arg8[%swap3A, %swap3A_22] : memref<1x1xf32, #tpu.memory_space<smem>>
      memref.store %add3A, %arg8[%swap3A, %swap3A_22] : memref<1x1xf32, #tpu.memory_space<smem>>
      %get3A_24 = arith.constant 0 : index
      %get3A_25 = arith.constant 0 : index
      %get3A_26 = vector.load %arg13[%get3A_24, %get3A_25] : memref<1x8192xf32, #tpu.memory_space<vmem>>, vector<1x8192xf32>
      %mul3A_27 = arith.constant 2.44140625E-4 : f32
      %mul3A_28 = vector.broadcast %mul3A_27 : f32 to vector<1x8192xf32>
      %mul3A_29 = arith.mulf %get3A_26, %mul3A_28 : vector<1x8192xf32>
      %add3A_30 = arith.constant 1.000000e-10 : f32
      %add3A_31 = vector.broadcast %add3A_30 : f32 to vector<1x8192xf32>
      %add3A_32 = arith.addf %mul3A_29, %add3A_31 : vector<1x8192xf32>
      %log3A = math.log %add3A_32 : vector<1x8192xf32>
      %mul3A_33 = arith.mulf %mul3A_29, %log3A : vector<1x8192xf32>
      %reduce_sum3A = vector.shape_cast %mul3A_33 : vector<1x8192xf32> to vector<1x1x8192xf32>
      %reduce_sum3A_34 = arith.constant dense<0.000000e+00> : vector<1xf32>
      %reduce_sum3A_35 = vector.multi_reduction <add>, %reduce_sum3A, %reduce_sum3A_34 [1, 2] : vector<1x1x8192xf32> to vector<1xf32>
      %reduce_sum3A_36 = vector.shape_cast %reduce_sum3A_35 : vector<1xf32> to vector<1x1x1xf32>
      %reduce_sum3A_37 = vector.extract %reduce_sum3A_36[0, 0, 0] : f32 from vector<1x1x1xf32>
      %neg3A = arith.constant 0.000000e+00 : f32
      %neg3A_38 = arith.subf %neg3A, %reduce_sum3A_37 : f32
      %exp3A = math.exp %neg3A_38 : f32
      %swap3A_39 = arith.constant 0 : index
      %swap3A_40 = arith.constant 0 : index
      %swap3A_41 = memref.load %arg9[%swap3A_39, %swap3A_40] : memref<1x1xf32, #tpu.memory_space<smem>>
      memref.store %exp3A, %arg9[%swap3A_39, %swap3A_40] : memref<1x1xf32, #tpu.memory_space<smem>>
    } else {
    }
    return
  }
  func.func @transform_0(%arg0: i32, %arg1: i32) -> (i32, i32) {
    %min3A = arith.constant 3 : i32
    %min3A_0 = arith.minsi %arg0, %min3A : i32
    %c0_i32 = arith.constant 0 : i32
    %c0_i32_1 = arith.constant 0 : i32
    return %min3A_0, %c0_i32 : i32, i32
  }
  func.func @transform_1(%arg0: i32, %arg1: i32) -> (i32, i32) {
    %eq3A = arith.constant 4 : i32
    %eq3A_0 = arith.cmpi eq, %arg0, %eq3A : i32
    %jit3A = arith.constant 3 : i32
    %select_n3A = arith.select %eq3A_0, %jit3A, %arg1 : i32
    %c0_i32 = arith.constant 0 : i32
    %c0_i32_1 = arith.constant 0 : i32
    return %select_n3A, %c0_i32 : i32, i32
  }
  func.func @transform_2(%arg0: i32, %arg1: i32) -> (i32, i32) {
    %c0_i32 = arith.constant 0 : i32
    %c0_i32_0 = arith.constant 0 : i32
    %c0_i32_1 = arith.constant 0 : i32
    return %c0_i32, %c0_i32_0 : i32, i32
  }
  func.func @transform_3(%arg0: i32, %arg1: i32) -> (i32, i32) {
    %c0_i32 = arith.constant 0 : i32
    %c0_i32_0 = arith.constant 0 : i32
    %c0_i32_1 = arith.constant 0 : i32
    return %c0_i32, %c0_i32_0 : i32, i32
  }
  func.func @transform_5(%arg0: i32, %arg1: i32) -> (i32, i32, i32) {
    %min3A = arith.constant 3 : i32
    %min3A_0 = arith.minsi %arg0, %min3A : i32
    %c0_i32 = arith.constant 0 : i32
    %c0_i32_1 = arith.constant 0 : i32
    %c0_i32_2 = arith.constant 0 : i32
    return %min3A_0, %c0_i32, %c0_i32_1 : i32, i32, i32
  }
  func.func @transform_6(%arg0: i32, %arg1: i32) -> (i32, i32) {
    %c0_i32 = arith.constant 0 : i32
    %c0_i32_0 = arith.constant 0 : i32
    %c0_i32_1 = arith.constant 0 : i32
    return %c0_i32, %c0_i32_0 : i32, i32
  }
  func.func @transform_7(%arg0: i32, %arg1: i32) -> (i32, i32) {
    %c0_i32 = arith.constant 0 : i32
    %c0_i32_0 = arith.constant 0 : i32
    %c0_i32_1 = arith.constant 0 : i32
    return %c0_i32, %c0_i32_0 : i32, i32
  }
}

</mosaic_0001>

<sc_bundles>
// kernel: kernel.5.cloned.1.call-start
scs
__scs_entry_jumppad:
0x0: {  	(pc) =	sbr.rel $0x88, $3  }
0x1: {  	(tag) =	ssettag $0x0;
	lr =	simm.s32 $0x1  }
0x2: {  	[smem:$0x3F9F] =	sst lr;
	_ =	strace $0xD0000000  }
0x3: {  	_ = 	snop  }
0x4: {  	_ = 	snop  }
0x5: {  	_ = 	snop  }
0x6: {  	_ = 	snop  }
0x7: {  	_ = 	snop  }
__scs_overlays_trampoline_lowered:
0x8: {  	[smem:$0x3FAE] =	sst s0  }
0x9: {  	[smem:$0x3FAF] =	sst s1  }
0xa: {  	[smem:$0x3FB0] =	sst s2  }
0xb: {  	[smem:$0x3FB1] =	sst s3  }
0xc: {  	[smem:$0x3FB2] =	sst s4  }
0xd: {  	[smem:$0x3FB3] =	sst s5  }
0xe: {  	[smem:$0x3FB4] =	sst s6  }
0xf: {  	[smem:$0x3FB5] =	sst s7  }
0x10: {  	[smem:$0x3FB6] =	sst s8  }
0x11: {  	[smem:$0x3FB7] =	sst s9;
	s0 =	simm.s32 @!p0 $0x0  }
0x12: {  	s1 =	sld [smem:$0x3F9D];
	s0 =	simm.s32 @p0 $0x1  }
0x13: {  	[smem:$0x3FB8] =	sst s0;
	s0 =	simm.s32 @!p1 $0x0  }
0x14: {  	s2 =	sld [smem:$0x3F9C];
	s0 =	simm.s32 @p1 $0x1  }
0x15: {  	[smem:$0x3FB9] =	sst s0;
	s0 =	simm.s32 @!p2 $0x0  }
0x16: {  	s3 =	sld [smem:$0x3FDB];
	s0 =	simm.s32 @p2 $0x1  }
0x17: {  	s4 =	simm.s32 $0x1BF5;
	[smem:$0x3FBB] =	sst s0  }
0x18: {  	s0 =	sld [smem:$0x3F9E];
	_ =	swait.ge [sflag:s4], $0x0  }
0x19: {  	s7 =	sld [smem:$0x3F9F]  }
0x1a: {  	s8 =	sadd.s32 $0xFFFFE003, lr  }
0x1b: {  	s9 =	sadd.s32 $0xFFFFFEF7, lr;
	s5 =	simm.s32 $0xFFFFFFFF;
	p2 =	slt.u32 s8, $0xFFFFF086  }
0x1c: {  	p1 =	slt.u32 s9, $0xF7A;
	s5 =	simm.s32 @!p2 $0x0  }
0x1d: {  	s5 =	simm.s32 @p1 $0x1;
	p0 =	seq.s32 s7, s2  }
0x1e: {  	s7 =	smul.u32 @!p0 $0xF7A, s2;
	p2 =	seq.s32 @!p0 s5, $0x0  }
0x1f: {  	s9 =	smul.u32 $0xF7A, s1;
	s8 =	simm.s32 @!p0 $0x1BF5;
	p2 =	por !p2, p0  }
0x20: {  	[sflag:s8] =	ssyncset.s32 @!p0 $0xFFFFF086;
	s6 =	sadd.s32 @!p0 s3, s7;
	s7 =	simm.s32 @!p0 $0x108  }
0x21: {  	s3 =	sadd.s32 s3, s9;
	s6 =	sadd.s32 @!p0 $0x88, s6;
	s7 =	simm.s32 @p2 $0x1082  }
0x22: {  	[simem:s7], [sflag:s8] =	dma.local @!p0 [hbm:s6], $0xF7A  }
0x23: {  	s9 =	sor.u32 $0xD0000000, s2;
	s6 =	simm.s32 $0x108;
	_ =	swait.ge @!p0 [sflag:s8], $0x0  }
0x24: {  	s3 =	sadd.s32 $0x88, s3;
	s6 =	simm.s32 @!p1 $0x1082;
	[sflag:s4] =	ssyncset.s32 $0xFFFFF086  }
0x25: {  	[simem:s6], [sflag:s4] =	dma.local [hbm:s3], $0xF7A  }
0x26: {  	[smem:$0x3F9F] =	sst s1;
	(tag) =	ssettag s2;
	_ =	strace s9  }
0x27: {  	s1 =	sld [smem:$0x3FAF]  }
0x28: {  	s2 =	sld [smem:$0x3FB0]  }
0x29: {  	s4 =	sld [smem:$0x3FB2]  }
0x2a: {  	p0 =	seq.s32 s5, $0x0;
	s5 =	sld [smem:$0x3FB3]  }
0x2b: {  	s6 =	sld [smem:$0x3FB4]  }
0x2c: {  	s7 =	sld [smem:$0x3FB5]  }
0x2d: {  	s3 =	simm.s32 $0x108;
	s8 =	sld [smem:$0x3FB6]  }
0x2e: {  	s3 =	simm.s32 @!p0 $0x1082;
	s9 =	sld [smem:$0x3FB7]  }
0x2f: {  	lr =	sadd.s32 s0, s3;
	s0 =	sld [smem:$0x3FAE]  }
0x30: {  	s3 =	sld [smem:$0x3FB1]  }
0x31: {  	[smem:$0x3FBA] =	sst s10  }
0x32: {  	s10 =	sld [smem:$0x3FB8];
	_ =	sdelay $0x3  }
0x33: {  	p0 =	seq.s32 s10, $0x1;
	s10 =	sld [smem:$0x3FBA];
	_ =	sdelay $0x3  }
0x34: {  	[smem:$0x3FBA] =	sst s10  }
0x35: {  	s10 =	sld [smem:$0x3FB9];
	_ =	sdelay $0x3  }
0x36: {  	p1 =	seq.s32 s10, $0x1;
	s10 =	sld [smem:$0x3FBA];
	_ =	sdelay $0x3  }
0x37: {  	[smem:$0x3FBA] =	sst s10  }
0x38: {  	s10 =	sld [smem:$0x3FBB]  }
0x39: {  	_ = 	snop;
	(pc) =	sbr.ind lr, $3  }
0x3a: {  	_ = 	snop  }
0x3b: {  	_ = 	snop  }
0x3c: {  	p2 =	seq.s32 s10, $0x1;
	s10 =	sld [smem:$0x3FBA]  }
0x3d: {  	_ =	shalt  }
0x3e: {  	_ =	shalt  }
0x3f: {  	_ =	shalt  }
0x40: {  	_ =	shalt  }
0x41: {  	_ =	shalt  }
0x42: {  	_ =	shalt  }
0x43: {  	_ =	shalt  }
0x44: {  	_ =	shalt  }
0x45: {  	_ =	shalt  }
0x46: {  	_ =	shalt  }
0x47: {  	_ =	shalt  }
0x48: {  	_ =	shalt  }
0x49: {  	_ =	shalt  }
0x4a: {  	_ =	shalt  }
0x4b: {  	_ =	shalt  }
0x4c: {  	_ =	shalt  }
0x4d: {  	_ =	shalt  }
0x4e: {  	_ =	shalt  }
0x4f: {  	_ =	shalt  }
0x50: {  	_ =	shalt  }
0x51: {  	_ =	shalt  }
0x52: {  	_ =	shalt  }
0x53: {  	_ =	shalt  }
0x54: {  	_ =	shalt  }
0x55: {  	_ =	shalt  }
0x56: {  	_ =	shalt  }
0x57: {  	_ =	shalt  }
0x58: {  	_ =	shalt  }
0x59: {  	_ =	shalt  }
0x5a: {  	_ =	shalt  }
0x5b: {  	_ =	shalt  }
0x5c: {  	_ =	shalt  }
0x5d: {  	_ =	shalt  }
0x5e: {  	_ =	shalt  }
0x5f: {  	_ =	shalt  }
0x60: {  	_ =	shalt  }
0x61: {  	_ =	shalt  }
0x62: {  	_ =	shalt  }
0x63: {  	_ =	shalt  }
0x64: {  	_ =	shalt  }
0x65: {  	_ =	shalt  }
0x66: {  	_ =	shalt  }
0x67: {  	_ =	shalt  }
0x68: {  	_ =	shalt  }
0x69: {  	_ =	shalt  }
0x6a: {  	_ =	shalt  }
0x6b: {  	_ =	shalt  }
0x6c: {  	_ =	shalt  }
0x6d: {  	_ =	shalt  }
0x6e: {  	_ =	shalt  }
0x6f: {  	_ =	shalt  }
0x70: {  	_ =	shalt  }
0x71: {  	_ =	shalt  }
0x72: {  	_ =	shalt  }
0x73: {  	_ =	shalt  }
0x74: {  	_ =	shalt  }
0x75: {  	_ =	shalt  }
0x76: {  	_ =	shalt  }
0x77: {  	_ =	shalt  }
0x78: {  	_ =	shalt  }
0x79: {  	_ =	shalt  }
0x7a: {  	_ =	shalt  }
0x7b: {  	_ =	shalt  }
0x7c: {  	_ =	shalt  }
0x7d: {  	_ =	shalt  }
0x7e: {  	_ =	shalt  }
0x7f: {  	_ =	shalt  }
0x80: {  	_ =	shalt  }
0x81: {  	_ =	shalt  }
0x82: {  	_ =	shalt  }
0x83: {  	_ =	shalt  }
0x84: {  	_ =	shalt  }
0x85: {  	_ =	shalt  }
0x86: {  	_ =	shalt  }
0x87: {  	_ =	shalt  }
.Lfunc_end0:
.L_simem_size_0:
called_computation_lowered:
.L_overlay_start_0:
0x88: {  	s2 =	sld [smem:$0x3FD9]  }
0x89: {  	s3 =	sld [smem:$0x3FFE];
	_ =	sdelay $0x1  }
0x8a: {  	s1 =	srdreg.scid  }
0x8b: {  	s0 =	sand.u32 $0x1, s1  }
0x8c: {  	s14 =	sshll.u32 s0, $0xA;
	s2 =	sadd.s32 s3, s2  }
0x8d: {  	s2 =	sadd.s32 s2, s14  }
0x8e: {  	[smem:$0x3FC6] =	sst s2  }
0x8f: {  	_ = 	snop  }
0x90: {  	s2 =	sld [smem:$0x3FD0];
	_ =	sdelay $0x2  }
0x91: {  	s4 =	simm.s32 $0xA;
	s5 =	simm.s32 $0x10;
	s15 =	sld [smem:$0x3FC8]  }
0x92: {  	[smem:s5], [sflag:s4] =	dma.local [hbm:s2], $0x1  }
0x93: {  	_ =	swait.eq [sflag:s4], $0x1  }
0x94: {  	[sflag:s4] =	ssyncset.done $0x0  }
0x95: {  	[sflag:s4] =	ssyncadd.s32 $0xFFFFFFFF  }
0x96: {  	s16 =	sld [smem:$0x11];
	(tm) =	ssettm $0x1  }
0x97: {  	s17 =	sld [smem:$0x3FFB];
	_ =	sdelay $0x3  }
0x98: {  	_ =	strace s17  }
0x99: {  	s4 =	sld [smem:$0x3FFC];
	_ =	sdelay $0x3  }
0x9a: {  	_ =	strace s4  }
0x9b: {  	s4 =	sld [smem:$0x3FFD];
	_ =	sdelay $0x3  }
0x9c: {  	_ =	strace s4  }
0x9d: {  	_ =	strace $0x8FFFFFFF  }
0x9e: {  	s18 =	sld [smem:$0x3FDB];
	_ =	sdelay $0x1  }
0x9f: {  	s19 =	simm.s32 $_scs_section_size  }
0xa0: {  	s6 =	simm.s32 $_size__tile_overlayer_lowered;
	s7 =	simm.s32 $_tile_overlayer_lowered  }
0xa1: {  	s22 =	simm.s32 $0x1BFF;
	s21 =	sshll.u32 s7, $0x1;
	s4 =	sadd.s32 s19, s18  }
0xa2: {  	s8 =	simm.s32 $0x0;
	s20 =	sshll.u32 s6, $0x1;
	s6 =	sadd.s32 s21, s4  }
0xa3: {  	[timem:s8], [sflag:s22] =	dma.local [hbm:s6], s20  }
0xa4: {  	_ =	swait.ge [sflag:s22], s20  }
0xa5: {  	s5 =	ssub.s32 $0x0, s20;
	[sflag:s22] =	ssyncset.done $0x0  }
0xa6: {  	[sflag:s22] =	ssyncadd.s32 s5;
	_ =	sdelay $0x1  }
0xa7: {  	s23 =	simm.s32 $0x1B8B  }
0xa8: {  	_ =	swait.ge [sflag:s23], $0x1  }
0xa9: {  	[sflag:s23] =	ssyncset.done $0x0  }
0xaa: {  	s25 =	simm.s32 $0x1B8E;
	s24 =	sld [smem:$0x3FFE];
	[sflag:s23] =	ssyncadd.s32 $0xFFFFFFFF  }
0xab: {  	s26 =	simm.s32 $execute0_lowered;
	[smem:$0x3FD2] =	sst s25  }
0xac: {  	s6 =	sshll.u32 s26, $0x1;
	_ =	strace $0x80000046;
	[dreg:$0x1] =	wrdreg $0xFFFFFFFF  }
0xad: {  	s28 =	simm.s32 $_size_execute0_lowered;
	s4 =	sadd.s32 s4, s6;
	[dreg:$0x0] =	wrdreg $0x0  }
0xae: {  	s6 =	sshll.u32 s28, $0x1;
	[dreg:$0x2] =	wrdreg s4  }
0xaf: {  	[dreg:$0x3] =	wrdreg s6  }
0xb0: {  	[dreg:$0x4] =	wrdreg $0xC0  }
0xb1: {  	_ =	task [dreg:s8], $0x5FFFF  }
0xb2: {  	[dreg:$0x1] =	wrdreg $0xFFFFFFFF  }
0xb3: {  	[dreg:$0x0] =	wrdreg $0x60  }
0xb4: {  	[dreg:$0x2] =	wrdreg s15  }
0xb5: {  	[dreg:$0x3] =	wrdreg s24  }
0xb6: {  	[dreg:$0x4] =	wrdreg s16  }
0xb7: {  	[dreg:$0x5] =	wrdreg $0x9  }
0xb8: {  	_ =	task.clear_ibuf [dreg:s8], $0x6FFFF;
	_ =	strace $0x90000046  }
0xb9: {  	s29 =	simm.s32 $0x9;
	_ =	strace $0x80000048  }
0xba: {  	_ =	swait.ge [sflag:s29], $0x1  }
0xbb: {  	[sflag:s29] =	ssyncadd.s32 $0xFFFFFFFF  }
0xbc: {  	_ =	strace $0x90000048  }
0xbd: {  	_ =	sfence  }
0xbe: {  	s30 =	sld [smem:$0x0];
	_ =	sdelay $0x2  }
0xbf: {  	s31 =	sshll.u32 s1, $0xD;
	s1 =	sshrl.u32 s1, $0x2  }
0xc0: {  	s3 =	sand.u32 $0x4000, s31;
	s1 =	sadd.s32 s1, s30  }
0xc1: {  	s0 =	sor.u32 s3, s0;
	s1 =	sshll.u32 s1, $0x11  }
0xc2: {  	s0 =	sor.u32 s1, s0  }
0xc3: {  	s0 =	sadd.s32 $0x8F2B, s0  }
0xc4: {  	[sflag:s0] =	ssyncadd.remote.s32 $0x1  }
0xc5: {  	_ =	sfence.sel $0xFFFF  }
0xc6: {  	[dreg:$0x0] =	wrdreg $0xFFFFFFFF;
	(pc) =	sbr.abs _section_cstart, $3  }
0xc7: {  	[dreg:$0x1] =	wrdreg $0xFFFFFFFF  }
0xc8: {  	_ =	task.clear_ibuf [dreg:s8], $0x2FFFF;
	_ =	strace $0x9FFFFFFF  }
0xc9: {  	(tm) =	ssettm $0x7FFFFFFF  }
tec
execute0_lowered:
.L_overlay_start_1:
0x0: {  	(tag) =	ssettag $0x1  }
0x1: {  	s1 =	rddreg [dreg:$0x0]  }
0x2: {  	s4 =	rddreg [dreg:$0x1]  }
0x3: {  	s5 =	rddreg [dreg:$0x2];
	s3 =	srdreg.scid  }
0x4: {  	s0 =	rddreg [dreg:$0x3];
	s2 =	stileid.u32;
	s10 =	simm.s32 $0x1080  }
0x5: {  	s11 =	simm.s32 $0x1880;
	s12 =	simm.s32 $0x2080;
	s13 =	simm.s32 $0x2880  }
0x6: {  	s14 =	simm.s32 $0x3080;
	s15 =	simm.s32 $0x3880;
	s16 =	simm.s32 $0x4080  }
0x7: {  	s17 =	simm.s32 $0x4880;
	s18 =	simm.s32 $0x5080;
	s19 =	simm.s32 $0x5880  }
0x8: {  	s20 =	simm.s32 $0x6080;
	s21 =	simm.s32 $0x6880;
	s22 =	simm.s32 $0x7080  }
0x9: {  	s23 =	simm.s32 $0x7880;
	s24 =	simm.s32 $0x1;
	s6 =	sand.u32 $0x1, s3  }
0xa: {  	s3 =	simm.s32 $0x0;
	s7 =	sshll.u32 s2, $0x8;
	s8 =	sshll.u32 s6, $0x7  }
0xb: {  	[smem:$0x7FF] =	sst s3;
	s6 =	ssub.s32 $0x2, s6;
	s7 =	sor.u32 s8, s7  }
0xc: {  	_ =	strace $0x80000047;
	s9 =	sshrl.u32 s6, $0x1;
	s8 =	sshrl.u32 s7, $0x3  }
0xd: {  	v2 =	vlaneseq.u32;
	s6 =	ssub.s32 s6, s9;
	s7 =	sshll.u32 s7, $0x5;
	s9 =	simm.s32 $0x880  }
0xe: {  	vm0 =	vmmov $0xffff;
	v1 =	vshrl.u32 v2, $0x3;
	s4 =	sadd.s32 s8, s4;
	s5 =	sadd.s32 s5, s7;
	s6 =	smax.u32 s6, $0x1  }
0xf: {  	v0 =	vand.u32 $0x7, v2;
	v2 =	vor.u32 $0x8, v2;
	v1 =	vmul.u32 $0x8, v1;
	s7 =	simm.s32 $0x2;
	s8 =	simm.s32 $0x80;
	s4 =	sadd.s32 $0xC00, s4  }
.LBB2_1:
0x10: {  	[tilespmem:s3], [sflag:$0x2] =	stream.linear.gather [hbm4b:s4+s3], $0x80, $0x38;
	[tilespmem:$0x8080] =	vst v63  }
0x11: {  	_ =	swait.ge [sflag:s7], $0x80  }
0x12: {  	[sflag:s7] =	ssyncset.done $0x0  }
0x13: {  	[sflag:s7] =	ssyncadd.s32 $0xFFFFFF80  }
0x14: {  	v3 =	vld [tilespmem:$0x0];
	_ =	sdelay $0x4  }
0x15: {  	v4 =	vshll.u32 v3, $0x1  }
0x16: {  	v3 =	vand.u32 $0x7, v3;
	v4 =	vand.u32 $0xFFFFFFF0, v4  }
0x17: {  	v3 =	vor.u32 v3, v4  }
0x18: {  	v4 =	vperm.xlane v3, v0;
	_ =	sdelay $0x1  }
0x19: {  	v3 =	vperm.xlane v3, v2;
	v4 =	vadd.s32 v1, v4;
	_ =	sdelay $0x1  }
0x1a: {  	v3 =	vadd.s32 v1, v3;
	_ =	sdelay $0x2  }
0x1b: {  	[tilespmem:s8], [sflag:$0x1] =	stream.indirect_vreg.gather [hbm4b:s1+s3], $0x80, v4, vm0, $0xb8;
	[tilespmem:$0x8080] =	vst v63  }
0x1c: {  	_ = 	snop  }
0x1d: {  	[tilespmem:s9], [sflag:$0x1] =	stream.indirect_vreg.gather [hbm4b:s1+s3], $0x80, v3, vm0, $0xb8;
	[tilespmem:$0x8080] =	vst v63  }
0x1e: {  	v3 =	vld [tilespmem:$0x10];
	_ =	sdelay $0x4  }
0x1f: {  	v57 =	vshll.u32 v3, $0x1  }
0x20: {  	v3 =	vand.u32 $0x7, v3;
	v4 =	vand.u32 $0xFFFFFFF0, v57  }
0x21: {  	v3 =	vor.u32 v3, v4  }
0x22: {  	v4 =	vperm.xlane v3, v0;
	_ =	sdelay $0x1  }
0x23: {  	v3 =	vperm.xlane v3, v2;
	v4 =	vadd.s32 v1, v4;
	_ =	sdelay $0x1  }
0x24: {  	v3 =	vadd.s32 v1, v3;
	_ =	sdelay $0x2  }
0x25: {  	[tilespmem:s10], [sflag:$0x1] =	stream.indirect_vreg.gather [hbm4b:s1+s3], $0x80, v4, vm0, $0xb8;
	[tilespmem:$0x8080] =	vst v63  }
0x26: {  	_ = 	snop  }
0x27: {  	[tilespmem:s11], [sflag:$0x1] =	stream.indirect_vreg.gather [hbm4b:s1+s3], $0x80, v3, vm0, $0xb8;
	[tilespmem:$0x8080] =	vst v63  }
0x28: {  	v3 =	vld [tilespmem:$0x20];
	_ =	sdelay $0x4  }
0x29: {  	v58 =	vshll.u32 v3, $0x1  }
0x2a: {  	v3 =	vand.u32 $0x7, v3;
	v4 =	vand.u32 $0xFFFFFFF0, v58  }
0x2b: {  	v3 =	vor.u32 v3, v4  }
0x2c: {  	v4 =	vperm.xlane v3, v0;
	_ =	sdelay $0x1  }
0x2d: {  	v3 =	vperm.xlane v3, v2;
	v4 =	vadd.s32 v1, v4;
	_ =	sdelay $0x1  }
0x2e: {  	v3 =	vadd.s32 v1, v3;
	_ =	sdelay $0x2  }
0x2f: {  	[tilespmem:s12], [sflag:$0x1] =	stream.indirect_vreg.gather [hbm4b:s1+s3], $0x80, v4, vm0, $0xb8;
	[tilespmem:$0x8080] =	vst v63  }
0x30: {  	_ = 	snop  }
0x31: {  	[tilespmem:s13], [sflag:$0x1] =	stream.indirect_vreg.gather [hbm4b:s1+s3], $0x80, v3, vm0, $0xb8;
	[tilespmem:$0x8080] =	vst v63  }
0x32: {  	v3 =	vld [tilespmem:$0x30];
	_ =	sdelay $0x4  }
0x33: {  	v59 =	vshll.u32 v3, $0x1  }
0x34: {  	v3 =	vand.u32 $0x7, v3;
	v4 =	vand.u32 $0xFFFFFFF0, v59  }
0x35: {  	v3 =	vor.u32 v3, v4  }
0x36: {  	v4 =	vperm.xlane v3, v0;
	_ =	sdelay $0x1  }
0x37: {  	v3 =	vperm.xlane v3, v2;
	v4 =	vadd.s32 v1, v4;
	_ =	sdelay $0x1  }
0x38: {  	v3 =	vadd.s32 v1, v3;
	_ =	sdelay $0x2  }
0x39: {  	[tilespmem:s14], [sflag:$0x1] =	stream.indirect_vreg.gather [hbm4b:s1+s3], $0x80, v4, vm0, $0xb8;
	[tilespmem:$0x8080] =	vst v63  }
0x3a: {  	_ = 	snop  }
0x3b: {  	[tilespmem:s15], [sflag:$0x1] =	stream.indirect_vreg.gather [hbm4b:s1+s3], $0x80, v3, vm0, $0xb8;
	[tilespmem:$0x8080] =	vst v63  }
0x3c: {  	v3 =	vld [tilespmem:$0x40];
	_ =	sdelay $0x4  }
0x3d: {  	v60 =	vshll.u32 v3, $0x1  }
0x3e: {  	v3 =	vand.u32 $0x7, v3;
	v4 =	vand.u32 $0xFFFFFFF0, v60  }
0x3f: {  	v3 =	vor.u32 v3, v4  }
0x40: {  	v4 =	vperm.xlane v3, v0;
	_ =	sdelay $0x1  }
0x41: {  	v3 =	vperm.xlane v3, v2;
	v4 =	vadd.s32 v1, v4;
	_ =	sdelay $0x1  }
0x42: {  	v3 =	vadd.s32 v1, v3;
	_ =	sdelay $0x2  }
0x43: {  	[tilespmem:s16], [sflag:$0x1] =	stream.indirect_vreg.gather [hbm4b:s1+s3], $0x80, v4, vm0, $0xb8;
	[tilespmem:$0x8080] =	vst v63  }
0x44: {  	_ = 	snop  }
0x45: {  	[tilespmem:s17], [sflag:$0x1] =	stream.indirect_vreg.gather [hbm4b:s1+s3], $0x80, v3, vm0, $0xb8;
	[tilespmem:$0x8080] =	vst v63  }
0x46: {  	v3 =	vld [tilespmem:$0x50];
	_ =	sdelay $0x4  }
0x47: {  	v61 =	vshll.u32 v3, $0x1  }
0x48: {  	v3 =	vand.u32 $0x7, v3;
	v4 =	vand.u32 $0xFFFFFFF0, v61  }
0x49: {  	v3 =	vor.u32 v3, v4  }
0x4a: {  	v4 =	vperm.xlane v3, v0;
	_ =	sdelay $0x1  }
0x4b: {  	v3 =	vperm.xlane v3, v2;
	v4 =	vadd.s32 v1, v4;
	_ =	sdelay $0x1  }
0x4c: {  	v3 =	vadd.s32 v1, v3;
	_ =	sdelay $0x2  }
0x4d: {  	[tilespmem:s18], [sflag:$0x1] =	stream.indirect_vreg.gather [hbm4b:s1+s3], $0x80, v4, vm0, $0xb8;
	[tilespmem:$0x8080] =	vst v63  }
0x4e: {  	_ = 	snop  }
0x4f: {  	[tilespmem:s19], [sflag:$0x1] =	stream.indirect_vreg.gather [hbm4b:s1+s3], $0x80, v3, vm0, $0xb8;
	[tilespmem:$0x8080] =	vst v63  }
0x50: {  	v3 =	vld [tilespmem:$0x60];
	_ =	sdelay $0x4  }
0x51: {  	v62 =	vshll.u32 v3, $0x1  }
0x52: {  	v3 =	vand.u32 $0x7, v3;
	v4 =	vand.u32 $0xFFFFFFF0, v62  }
0x53: {  	v3 =	vor.u32 v3, v4  }
0x54: {  	v4 =	vperm.xlane v3, v0;
	_ =	sdelay $0x1  }
0x55: {  	v3 =	vperm.xlane v3, v2;
	v4 =	vadd.s32 v1, v4;
	_ =	sdelay $0x1  }
0x56: {  	v3 =	vadd.s32 v1, v3;
	_ =	sdelay $0x2  }
0x57: {  	[tilespmem:s20], [sflag:$0x1] =	stream.indirect_vreg.gather [hbm4b:s1+s3], $0x80, v4, vm0, $0xb8;
	[tilespmem:$0x8080] =	vst v63  }
0x58: {  	_ = 	snop  }
0x59: {  	[tilespmem:s21], [sflag:$0x1] =	stream.indirect_vreg.gather [hbm4b:s1+s3], $0x80, v3, vm0, $0xb8;
	[tilespmem:$0x8080] =	vst v63  }
0x5a: {  	v3 =	vld [tilespmem:$0x70];
	_ =	sdelay $0x4  }
0x5b: {  	v63 =	vshll.u32 v3, $0x1  }
0x5c: {  	v3 =	vand.u32 $0x7, v3;
	v4 =	vand.u32 $0xFFFFFFF0, v63  }
0x5d: {  	v3 =	vor.u32 v3, v4  }
0x5e: {  	v4 =	vperm.xlane v3, v0;
	_ =	sdelay $0x1  }
0x5f: {  	v3 =	vperm.xlane v3, v2;
	v4 =	vadd.s32 v1, v4;
	_ =	sdelay $0x1  }
0x60: {  	v3 =	vadd.s32 v1, v3;
	_ =	sdelay $0x2  }
0x61: {  	[tilespmem:s22], [sflag:$0x1] =	stream.indirect_vreg.gather [hbm4b:s1+s3], $0x80, v4, vm0, $0xb8;
	[tilespmem:$0x8080] =	vst v63  }
0x62: {  	_ = 	snop  }
0x63: {  	[tilespmem:s23], [sflag:$0x1] =	stream.indirect_vreg.gather [hbm4b:s1+s3], $0x80, v3, vm0, $0xb8;
	[tilespmem:$0x8080] =	vst v63  }
0x64: {  	_ =	swait.ge [sflag:s24], $0x8000  }
0x65: {  	p0 =	sne.s32 s6, $0x1;
	[sflag:s24] =	ssyncset.done $0x0  }
.Ltmp0:
0x66: {  	[sflag:s24] =	ssyncadd.s32 $0xFFFF8000;
	(pc) =	sbr.rel @p0 .LBB2_1-.Ltmp0, $4  }
0x67: {  	[hbm4b:s5+s3] =	stream.linear.scatter [tilespmem:s8], [sflag:$0x2], $0x8000, $0x38;
	[tilespmem:$0x8080] =	vst v63  }
0x68: {  	_ =	swait.ge [sflag:s7], $0x8000  }
0x69: {  	[sflag:s7] =	ssyncset.done $0x0  }
0x6a: {  	s6 =	sadd.s32 $0xFFFFFFFF, s6;
	[sflag:s7] =	ssyncadd.s32 $0xFFFF8000  }
0x6b: {  	_ =	sfence.sel $0x180000  }
0x6c: {  	[bflag:$0x0] =	sbarrier.arrive $0xFFFF  }
0x6d: {  	p0 =	sne.s32 s2, $0x0;
	_ =	strace $0x90000047  }
0x6e: {  	s0 =	sadd.s32 @!p0 $0x100000, s0;
	[bflag:$0x2] =	sbarrier.arrive $0xFFFF  }
0x6f: {  	[sflag:s0] =	ssyncadd.tile.s32 @!p0 $0x1;
	_ =	shalt  }
.Lfunc_end2:
_tile_overlayer_lowered:
.L_overlay_start_2:
0x70: {  	(tag) =	ssettag $0x2  }
0x71: {  	s0 =	rddreg [dreg:$0x0];
	s2 =	stileid.u32  }
0x72: {  	s1 =	rddreg [dreg:$0x1];
	p0 =	sne.s32 s2, $0x0  }
0x73: {  	s3 =	rddreg [dreg:$0x2];
	[bflag:$0x3] =	sbarrier.arrive $0xFFFF;
	s2 =	simm.s32 @!p0 $0x1C02  }
0x74: {  	[timem:s3], [sflag:s2] =	dma.local @!p0 [hbm:s0], s1  }
0x75: {  	s0 =	simm.s32 @!p0 $0x2  }
0x76: {  	_ =	swait.ge @!p0 [sflag:s0], s1  }
0x77: {  	s1 =	ssub.s32 @!p0 $0x0, s1;
	[sflag:s0] =	ssyncset.done @!p0 $0x0  }
0x78: {  	[sflag:s0] =	ssyncadd.s32 @!p0 s1  }
0x79: {  	[bflag:$0x3] =	sbarrier.arrive $0xFFFF  }
0x7a: {  	_ =	shalt  }

</sc_bundles>
